<compile_context>
chip_gen: v7x
topology: tpu7x:2x2x1
jax: 0.10.2.dev20260603
libtpu: 0.0.44.dev20260713+nightly
codegen_flags: <defaults>
</compile_context>

<pallas_src>
import functools

import jax
import jax.numpy as jnp
from jax import lax
from jax.experimental import pallas as pl
from jax.experimental.pallas import tpu as pltpu
from jax.experimental.pallas import tpu_sc as plsc

B, F, V, D = 16384, 26, 8, 128
NC, NS = 2, 16
NW = NC * NS
ROWS = B * F
RPW = ROWS // NW
CH = 128
NCH = RPW // CH
NB = 4
NBANDS = B // 8
BPB = F * 8
LANES = 16
SPB = BPB // LANES


@functools.partial(
    pl.kernel,
    out_type=jax.ShapeDtypeStruct((NBANDS, F, 8, D), jnp.float32),
    mesh=plsc.VectorSubcoreMesh(core_axis_name="c", subcore_axis_name="s"),
    compiler_params=pltpu.CompilerParams(needs_layout_passes=False),
    scratch_types=(
        [pltpu.VMEM((RPW,), jnp.int32),
         pltpu.VMEM((NCH, CH), jnp.int32)]
        + [pltpu.VMEM((NB * CH, D), jnp.float32)]
        + [pltpu.VMEM_SHARED((F * V, D), jnp.float32)]
        + [pltpu.SemaphoreType.DMA for _ in range(NB + 2)]
    ),
)
def _sc_lookup(tbl_hbm, idx_hbm, out_4d, raw_v, idx_v, *rest):
    out_hbm = out_4d.reshape(ROWS, D)
    ring = rest[0]
    tbl_sh = rest[1]
    gsem = rest[2:2 + NB]
    ssem = rest[2 + NB:]

    wid = lax.axis_index("s") * NC + lax.axis_index("c")

    @pl.when(lax.axis_index("s") == 0)
    def _stage_table():
        pltpu.sync_copy(tbl_hbm, tbl_sh)

    pltpu.sync_copy(idx_hbm.at[wid], raw_v)

    def permute(j, carry):
        band = j // SPB
        q = lax.iota(jnp.int32, LANES) + (j % SPB) * LANES
        f = q >> 3
        i = q & 7
        src = band * BPB + i * F + f
        vals = plsc.load_gather(raw_v, [src])
        idx_v[j // 8, pl.ds((j % 8) * LANES, LANES)] = vals + (f << 3)
        return carry

    lax.fori_loop(0, 8 * NB, permute, 0)
    plsc.subcore_barrier()

    base = wid * RPW

    def slot(p):
        return ring.at[pl.ds(p * CH, CH)]

    def pair(h):
        return ring.at[pl.ds(h * 2 * CH, 2 * CH)]

    def start_gather(g, p):
        pltpu.async_copy(tbl_sh.at[idx_v.at[g]], slot(p), gsem[p])

    def wait_gather(g, p):
        pltpu.make_async_copy(tbl_sh.at[idx_v.at[g]], slot(p), gsem[p]).wait()

    def start_scatter2(g, h):
        pltpu.async_copy(pair(h), out_hbm.at[pl.ds(base + g * CH, 2 * CH)],
                         ssem[h])

    def wait_scatter2(g, h):
        pltpu.make_async_copy(pair(h), out_hbm.at[pl.ds(base + g * CH, 2 * CH)],
                              ssem[h]).wait()

    for p in range(NB):
        start_gather(p, p)

    def body(k, carry):
        g = NB * k
        lax.fori_loop(8 * (g + NB), 8 * (g + 2 * NB), permute, 0)
        for h in range(2):
            wait_gather(g + 2 * h, 2 * h)
            wait_gather(g + 2 * h + 1, 2 * h + 1)
            start_scatter2(g + 2 * h, h)
        for h in range(2):
            wait_scatter2(g + 2 * h, h)
            start_gather(g + NB + 2 * h, 2 * h)
            start_gather(g + NB + 2 * h + 1, 2 * h + 1)
        return carry

    lax.fori_loop(0, NCH // NB - 1, body, 0)

    g = NCH - NB
    for h in range(2):
        wait_gather(g + 2 * h, 2 * h)
        wait_gather(g + 2 * h + 1, 2 * h + 1)
        start_scatter2(g + 2 * h, h)
    for h in range(2):
        wait_scatter2(g + 2 * h, h)


def kernel(indices, tables):
    tbl = tables.reshape(F * V, D)
    idx2 = indices.reshape(NW, RPW)
    out = _sc_lookup(tbl, idx2)
    return out.transpose(0, 2, 1, 3).reshape(B, F * D)

# --- scband reference (transcript-rebuilt; emitter-appended) ---
"""Pipeline reference for scband-structured-memory-encoder-87454124081274 (READ-ONLY COPY).

The authoritative reference and input builder live on the scoring server;
editing this copy changes nothing except your own understanding.
"""

import jax, jax.numpy as jnp
import numpy as np

B, F, V, D = 16384, 26, 8, 128

def setup_inputs(seed: int = 0) -> dict:
    key = jax.random.key(seed)
    k1, k2 = jax.random.split(key)
    indices = jax.random.randint(k1, (B, F), 0, V, dtype=jnp.int32)
    # Learned parameters: one [V, D] embedding table per feature field, stacked to [F, V, D]
    # (all fields share the same vocab size, matching init_kwargs feature_spaces).
    tables = jax.random.normal(k2, (F, V, D), dtype=jnp.float32) * 0.02
    return {"indices": indices, "tables": tables}

def reference(indices, tables):
    # Batched version of StructuredMemoryEncoder.encode:
    # for each object b and each feature field f, look up tables[f, indices[b, f]]
    # and concatenate the per-field embeddings along the feature dimension.
    nb = indices.shape[0]
    idx = jnp.transpose(indices)[:, :, None]            # [F, B, 1]
    gathered = jnp.take_along_axis(tables, idx, axis=1)  # [F, B, D]
    out = jnp.transpose(gathered, (1, 0, 2)).reshape(nb, -1)  # [B, F*D]
    return out

if __name__ == "__main__":
    import jax
    _d = setup_inputs()
    print(jax.jit(kernel)(*tuple(_d.values())))

</pallas_src>

<mosaic_0001>
#map = affine_map<(d0, d1) -> (0, 0)>
#map1 = affine_map<(d0, d1) -> (0, 0, 0, 0)>
module attributes {stable_mosaic.version = 14 : i64} {
  func.func @_sc_lookup(%arg0: i32, %arg1: i32, %arg2: memref<208x128xf32, #tpu.memory_space<hbm>>, %arg3: memref<32x13312xi32, #tpu.memory_space<hbm>>, %arg4: memref<2048x26x8x128xf32, #tpu.memory_space<hbm>>, %arg5: memref<13312xi32, #tpu.memory_space<vmem>>, %arg6: memref<104x128xi32, #tpu.memory_space<vmem>>, %arg7: memref<512x128xf32, #tpu.memory_space<vmem>>, %arg8: memref<208x128xf32, #tpu.memory_space<vmem_shared>>, %arg9: memref<!tpu.dma_semaphore, #tpu.memory_space<semaphore_mem>>, %arg10: memref<!tpu.dma_semaphore, #tpu.memory_space<semaphore_mem>>, %arg11: memref<!tpu.dma_semaphore, #tpu.memory_space<semaphore_mem>>, %arg12: memref<!tpu.dma_semaphore, #tpu.memory_space<semaphore_mem>>, %arg13: memref<!tpu.dma_semaphore, #tpu.memory_space<semaphore_mem>>, %arg14: memref<!tpu.dma_semaphore, #tpu.memory_space<semaphore_mem>>) attributes {dimension_semantics = [#tpu.dimension_semantics<core_parallel>, #tpu.dimension_semantics<subcore_parallel>], iteration_bounds = array<i64: 2, 16>, scalar_prefetch = 0 : i64, scratch_operands = 10 : i64, tpu.core_type = #tpu.core_type<sc_vector_subcore>, window_params = [{transform_indices = #map}, {transform_indices = #map}, {transform_indices = #map1}]} {
    %mul3A = arith.constant 2 : i32
    %mul3A_0 = arith.muli %arg1, %mul3A : i32
    %add3A = arith.addi %mul3A_0, %arg0 : i32
    %eq3A = arith.constant 0 : i32
    %eq3A_1 = arith.cmpi eq, %arg1, %eq3A : i32
    %convert_element_type3A = arith.extui %eq3A_1 : i1 to i32
    %cond3A = arith.constant 0 : i32
    %cond3A_2 = arith.cmpi ne, %convert_element_type3A, %cond3A : i32
    scf.if %cond3A_2 {
      "tpu.region"() ({
        %run_scoped3A = tpu.sem_alloc : memref<!tpu.dma_semaphore, #tpu.memory_space<semaphore_mem>>
        tpu.enqueue_dma source(%arg2 : memref<208x128xf32, #tpu.memory_space<hbm>>) target(%arg8 : memref<208x128xf32, #tpu.memory_space<vmem_shared>>) target_semaphore(%run_scoped3A : memref<!tpu.dma_semaphore, #tpu.memory_space<semaphore_mem>>)
        tpu.wait_dma2 semaphore(%run_scoped3A : memref<!tpu.dma_semaphore, #tpu.memory_space<semaphore_mem>>) src(%arg2 : memref<208x128xf32, #tpu.memory_space<hbm>>) dst(%arg8 : memref<208x128xf32, #tpu.memory_space<vmem_shared>>)
        tpu.yield
      }) : () -> ()
    } else {
    }
    "tpu.region"() ({
      %run_scoped3A = tpu.sem_alloc : memref<!tpu.dma_semaphore, #tpu.memory_space<semaphore_mem>>
      %dma_start3A_150 = arith.constant 0 : i32
      %dma_start3A_151 = tpu.memref_slice %arg3[%add3A, %dma_start3A_150] : memref<32x13312xi32, #tpu.memory_space<hbm>> -> memref<1x13312xi32, #tpu.memory_space<hbm>>
      %dma_start3A_152 = tpu.memref_squeeze %dma_start3A_151 : memref<1x13312xi32, #tpu.memory_space<hbm>> -> memref<13312xi32, #tpu.memory_space<hbm>>
      %dma_start3A_153 = arith.constant 0 : i32
      %dma_start3A_154 = tpu.memref_slice %arg3[%add3A, %dma_start3A_153] : memref<32x13312xi32, #tpu.memory_space<hbm>> -> memref<1x13312xi32, #tpu.memory_space<hbm>>
      %dma_start3A_155 = tpu.memref_squeeze %dma_start3A_154 : memref<1x13312xi32, #tpu.memory_space<hbm>> -> memref<13312xi32, #tpu.memory_space<hbm>>
      tpu.enqueue_dma source(%dma_start3A_155 : memref<13312xi32, #tpu.memory_space<hbm>>) target(%arg5 : memref<13312xi32, #tpu.memory_space<vmem>>) target_semaphore(%run_scoped3A : memref<!tpu.dma_semaphore, #tpu.memory_space<semaphore_mem>>)
      %dma_wait3A_156 = arith.constant 0 : i32
      %dma_wait3A_157 = tpu.memref_slice %arg3[%add3A, %dma_wait3A_156] : memref<32x13312xi32, #tpu.memory_space<hbm>> -> memref<1x13312xi32, #tpu.memory_space<hbm>>
      %dma_wait3A_158 = tpu.memref_squeeze %dma_wait3A_157 : memref<1x13312xi32, #tpu.memory_space<hbm>> -> memref<13312xi32, #tpu.memory_space<hbm>>
      %dma_wait3A_159 = arith.constant 0 : i32
      %dma_wait3A_160 = tpu.memref_slice %arg3[%add3A, %dma_wait3A_159] : memref<32x13312xi32, #tpu.memory_space<hbm>> -> memref<1x13312xi32, #tpu.memory_space<hbm>>
      %dma_wait3A_161 = tpu.memref_squeeze %dma_wait3A_160 : memref<1x13312xi32, #tpu.memory_space<hbm>> -> memref<13312xi32, #tpu.memory_space<hbm>>
      tpu.wait_dma2 semaphore(%run_scoped3A : memref<!tpu.dma_semaphore, #tpu.memory_space<semaphore_mem>>) src(%dma_wait3A_161 : memref<13312xi32, #tpu.memory_space<hbm>>) dst(%arg5 : memref<13312xi32, #tpu.memory_space<vmem>>)
      tpu.yield
    }) : () -> ()
    %scan3A = arith.constant 0 : i32
    %scan3A_3 = arith.constant 0 : i32
    %scan3A_4 = arith.constant 32 : i32
    %scan3A_5 = arith.addi %scan3A_3, %scan3A_4 : i32
    %scan3A_6 = arith.constant 1 : i32
    scf.for %scan3A_150 = %scan3A_3 to %scan3A_5 step %scan3A_6  : i32 {
      %jit3A = arith.constant 13 : i32
      %div3A = arith.divsi %scan3A_150, %jit3A : i32
      %sign3A = arith.constant 0 : i32
      %sign3A_151 = arith.cmpi sgt, %scan3A_150, %sign3A : i32
      %sign3A_152 = arith.extui %sign3A_151 : i1 to i32
      %sign3A_153 = arith.constant 0 : i32
      %sign3A_154 = arith.cmpi slt, %scan3A_150, %sign3A_153 : i32
      %sign3A_155 = arith.extui %sign3A_154 : i1 to i32
      %sign3A_156 = arith.subi %sign3A_152, %sign3A_155 : i32
      %sign3A_157 = arith.constant 0 : i32
      %sign3A_158 = arith.cmpi sgt, %jit3A, %sign3A_157 : i32
      %sign3A_159 = arith.extui %sign3A_158 : i1 to i32
      %sign3A_160 = arith.constant 0 : i32
      %sign3A_161 = arith.cmpi slt, %jit3A, %sign3A_160 : i32
      %sign3A_162 = arith.extui %sign3A_161 : i1 to i32
      %sign3A_163 = arith.subi %sign3A_159, %sign3A_162 : i32
      %ne3A = arith.cmpi ne, %sign3A_156, %sign3A_163 : i32
      %rem3A = arith.remsi %scan3A_150, %jit3A : i32
      %ne3A_164 = arith.constant 0 : i32
      %ne3A_165 = arith.cmpi ne, %rem3A, %ne3A_164 : i32
      %and3A = arith.andi %ne3A, %ne3A_165 : i1
      %sub3A = arith.constant 1 : i32
      %sub3A_166 = arith.subi %div3A, %sub3A : i32
      %select_n3A = arith.select %and3A, %sub3A_166, %div3A : i32
      %iota3A = tpu.iota {dimensions = array<i32: 0>} : vector<16xi32>
      %jit3A_167 = arith.constant 13 : i32
      %eq3A_168 = arith.constant 0 : i32
      %eq3A_169 = arith.cmpi eq, %jit3A_167, %eq3A_168 : i32
      %jit3A_170 = arith.constant 1 : i32
      %select_n3A_171 = arith.select %eq3A_169, %jit3A_170, %jit3A_167 : i32
      %rem3A_172 = arith.remsi %scan3A_150, %select_n3A_171 : i32
      %ne3A_173 = arith.constant 0 : i32
      %ne3A_174 = arith.cmpi ne, %rem3A_172, %ne3A_173 : i32
      %lt3A = arith.constant 0 : i32
      %lt3A_175 = arith.cmpi slt, %rem3A_172, %lt3A : i32
      %lt3A_176 = arith.constant 0 : i32
      %lt3A_177 = arith.cmpi slt, %select_n3A_171, %lt3A_176 : i32
      %ne3A_178 = arith.xori %lt3A_175, %lt3A_177 : i1
      %and3A_179 = arith.andi %ne3A_178, %ne3A_174 : i1
      %add3A_180 = arith.addi %rem3A_172, %select_n3A_171 : i32
      %select_n3A_181 = arith.select %and3A_179, %add3A_180, %rem3A_172 : i32
      %mul3A_182 = arith.constant 16 : i32
      %mul3A_183 = arith.muli %select_n3A_181, %mul3A_182 : i32
      %add3A_184 = vector.broadcast %mul3A_183 : i32 to vector<16xi32>
      %add3A_185 = arith.addi %iota3A, %add3A_184 : vector<16xi32>
      %shift_right_arithmetic3A = arith.constant 3 : i32
      %shift_right_arithmetic3A_186 = vector.broadcast %shift_right_arithmetic3A : i32 to vector<16xi32>
      %shift_right_arithmetic3A_187 = arith.shrsi %add3A_185, %shift_right_arithmetic3A_186 : vector<16xi32>
      %and3A_188 = arith.constant 7 : i32
      %and3A_189 = vector.broadcast %and3A_188 : i32 to vector<16xi32>
      %and3A_190 = arith.andi %add3A_185, %and3A_189 : vector<16xi32>
      %mul3A_191 = arith.constant 208 : i32
      %mul3A_192 = arith.muli %select_n3A, %mul3A_191 : i32
      %mul3A_193 = arith.constant 26 : i32
      %mul3A_194 = vector.broadcast %mul3A_193 : i32 to vector<16xi32>
      %mul3A_195 = arith.muli %and3A_190, %mul3A_194 : vector<16xi32>
      %add3A_196 = vector.broadcast %mul3A_192 : i32 to vector<16xi32>
      %add3A_197 = arith.addi %add3A_196, %mul3A_195 : vector<16xi32>
      %add3A_198 = arith.addi %add3A_197, %shift_right_arithmetic3A_187 : vector<16xi32>
      %gather3A = tpu.vector_load_idx %arg5[%add3A_198] : memref<13312xi32, #tpu.memory_space<vmem>>[vector<16xi32>], vector<16xi32>,
      %shift_left3A = arith.constant 3 : i32
      %shift_left3A_199 = vector.broadcast %shift_left3A : i32 to vector<16xi32>
      %shift_left3A_200 = arith.shli %shift_right_arithmetic3A_187, %shift_left3A_199 : vector<16xi32>
      %add3A_201 = arith.addi %gather3A, %shift_left3A_200 : vector<16xi32>
      %jit3A_202 = arith.constant 8 : i32
      %div3A_203 = arith.divsi %scan3A_150, %jit3A_202 : i32
      %sign3A_204 = arith.constant 0 : i32
      %sign3A_205 = arith.cmpi sgt, %scan3A_150, %sign3A_204 : i32
      %sign3A_206 = arith.extui %sign3A_205 : i1 to i32
      %sign3A_207 = arith.constant 0 : i32
      %sign3A_208 = arith.cmpi slt, %scan3A_150, %sign3A_207 : i32
      %sign3A_209 = arith.extui %sign3A_208 : i1 to i32
      %sign3A_210 = arith.subi %sign3A_206, %sign3A_209 : i32
      %sign3A_211 = arith.constant 0 : i32
      %sign3A_212 = arith.cmpi sgt, %jit3A_202, %sign3A_211 : i32
      %sign3A_213 = arith.extui %sign3A_212 : i1 to i32
      %sign3A_214 = arith.constant 0 : i32
      %sign3A_215 = arith.cmpi slt, %jit3A_202, %sign3A_214 : i32
      %sign3A_216 = arith.extui %sign3A_215 : i1 to i32
      %sign3A_217 = arith.subi %sign3A_213, %sign3A_216 : i32
      %ne3A_218 = arith.cmpi ne, %sign3A_210, %sign3A_217 : i32
      %rem3A_219 = arith.remsi %scan3A_150, %jit3A_202 : i32
      %ne3A_220 = arith.constant 0 : i32
      %ne3A_221 = arith.cmpi ne, %rem3A_219, %ne3A_220 : i32
      %and3A_222 = arith.andi %ne3A_218, %ne3A_221 : i1
      %sub3A_223 = arith.constant 1 : i32
      %sub3A_224 = arith.subi %div3A_203, %sub3A_223 : i32
      %select_n3A_225 = arith.select %and3A_222, %sub3A_224, %div3A_203 : i32
      %jit3A_226 = arith.constant 8 : i32
      %eq3A_227 = arith.constant 0 : i32
      %eq3A_228 = arith.cmpi eq, %jit3A_226, %eq3A_227 : i32
      %jit3A_229 = arith.constant 1 : i32
      %select_n3A_230 = arith.select %eq3A_228, %jit3A_229, %jit3A_226 : i32
      %rem3A_231 = arith.remsi %scan3A_150, %select_n3A_230 : i32
      %ne3A_232 = arith.constant 0 : i32
      %ne3A_233 = arith.cmpi ne, %rem3A_231, %ne3A_232 : i32
      %lt3A_234 = arith.constant 0 : i32
      %lt3A_235 = arith.cmpi slt, %rem3A_231, %lt3A_234 : i32
      %lt3A_236 = arith.constant 0 : i32
      %lt3A_237 = arith.cmpi slt, %select_n3A_230, %lt3A_236 : i32
      %ne3A_238 = arith.xori %lt3A_235, %lt3A_237 : i1
      %and3A_239 = arith.andi %ne3A_238, %ne3A_233 : i1
      %add3A_240 = arith.addi %rem3A_231, %select_n3A_230 : i32
      %select_n3A_241 = arith.select %and3A_239, %add3A_240, %rem3A_231 : i32
      %mul3A_242 = arith.constant 16 : i32
      %mul3A_243 = arith.muli %select_n3A_241, %mul3A_242 : i32
      %swap3A = arith.index_cast %select_n3A_225 : i32 to index
      %swap3A_244 = arith.index_cast %mul3A_243 : i32 to index
      %swap3A_245 = tpu.vector_load %arg6[%swap3A, %swap3A_244] {strides = array<i32>} : memref<104x128xi32, #tpu.memory_space<vmem>>, vector<16xi32>,
      tpu.vector_store %arg6[%swap3A, %swap3A_244], %add3A_201 {strides = array<i32>} : memref<104x128xi32, #tpu.memory_space<vmem>>, vector<16xi32>,
    }
    %scan3A_7 = arith.constant 32 : i32
    %barrier3A = arith.constant 0 : index
    tpu.barrier barrier_id(%barrier3A)
    %mul3A_8 = arith.constant 13312 : i32
    %mul3A_9 = arith.muli %add3A, %mul3A_8 : i32
    %dma_start3A = arith.constant 0 : i32
    %dma_start3A_10 = arith.constant 0 : i32
    %dma_start3A_11 = arith.constant 0 : i32
    %dma_start3A_12 = tpu.memref_slice %arg7[%dma_start3A_10, %dma_start3A_11] : memref<512x128xf32, #tpu.memory_space<vmem>> -> memref<128x128xf32, #tpu.memory_space<vmem>>
    %dma_start3A_13 = arith.constant 0 : i32
    %dma_start3A_14 = tpu.memref_slice %arg6[%dma_start3A, %dma_start3A_13] : memref<104x128xi32, #tpu.memory_space<vmem>> -> memref<1x128xi32, #tpu.memory_space<vmem>>
    %dma_start3A_15 = tpu.memref_squeeze %dma_start3A_14 : memref<1x128xi32, #tpu.memory_space<vmem>> -> memref<128xi32, #tpu.memory_space<vmem>>
    %dma_start3A_16 = arith.constant 0 : i32
    %dma_start3A_17 = arith.constant 0 : i32
    %dma_start3A_18 = tpu.memref_slice %arg8[%dma_start3A_16, %dma_start3A_17] : memref<208x128xf32, #tpu.memory_space<vmem_shared>> -> memref<208x128xf32, #tpu.memory_space<vmem_shared>>
    tpu.enqueue_indirect_dma source(%dma_start3A_18 : memref<208x128xf32, #tpu.memory_space<vmem_shared>>) target(%dma_start3A_12 : memref<128x128xf32, #tpu.memory_space<vmem>>) offsets(%dma_start3A_15 : memref<128xi32, #tpu.memory_space<vmem>>) semaphore(%arg9 : memref<!tpu.dma_semaphore, #tpu.memory_space<semaphore_mem>>)
    %dma_start3A_19 = arith.constant 1 : i32
    %dma_start3A_20 = arith.constant 128 : i32
    %dma_start3A_21 = arith.constant 0 : i32
    %dma_start3A_22 = tpu.memref_slice %arg7[%dma_start3A_20, %dma_start3A_21] : memref<512x128xf32, #tpu.memory_space<vmem>> -> memref<128x128xf32, #tpu.memory_space<vmem>>
    %dma_start3A_23 = arith.constant 0 : i32
    %dma_start3A_24 = tpu.memref_slice %arg6[%dma_start3A_19, %dma_start3A_23] : memref<104x128xi32, #tpu.memory_space<vmem>> -> memref<1x128xi32, #tpu.memory_space<vmem>>
    %dma_start3A_25 = tpu.memref_squeeze %dma_start3A_24 : memref<1x128xi32, #tpu.memory_space<vmem>> -> memref<128xi32, #tpu.memory_space<vmem>>
    %dma_start3A_26 = arith.constant 0 : i32
    %dma_start3A_27 = arith.constant 0 : i32
    %dma_start3A_28 = tpu.memref_slice %arg8[%dma_start3A_26, %dma_start3A_27] : memref<208x128xf32, #tpu.memory_space<vmem_shared>> -> memref<208x128xf32, #tpu.memory_space<vmem_shared>>
    tpu.enqueue_indirect_dma source(%dma_start3A_28 : memref<208x128xf32, #tpu.memory_space<vmem_shared>>) target(%dma_start3A_22 : memref<128x128xf32, #tpu.memory_space<vmem>>) offsets(%dma_start3A_25 : memref<128xi32, #tpu.memory_space<vmem>>) semaphore(%arg10 : memref<!tpu.dma_semaphore, #tpu.memory_space<semaphore_mem>>)
    %dma_start3A_29 = arith.constant 2 : i32
    %dma_start3A_30 = arith.constant 256 : i32
    %dma_start3A_31 = arith.constant 0 : i32
    %dma_start3A_32 = tpu.memref_slice %arg7[%dma_start3A_30, %dma_start3A_31] : memref<512x128xf32, #tpu.memory_space<vmem>> -> memref<128x128xf32, #tpu.memory_space<vmem>>
    %dma_start3A_33 = arith.constant 0 : i32
    %dma_start3A_34 = tpu.memref_slice %arg6[%dma_start3A_29, %dma_start3A_33] : memref<104x128xi32, #tpu.memory_space<vmem>> -> memref<1x128xi32, #tpu.memory_space<vmem>>
    %dma_start3A_35 = tpu.memref_squeeze %dma_start3A_34 : memref<1x128xi32, #tpu.memory_space<vmem>> -> memref<128xi32, #tpu.memory_space<vmem>>
    %dma_start3A_36 = arith.constant 0 : i32
    %dma_start3A_37 = arith.constant 0 : i32
    %dma_start3A_38 = tpu.memref_slice %arg8[%dma_start3A_36, %dma_start3A_37] : memref<208x128xf32, #tpu.memory_space<vmem_shared>> -> memref<208x128xf32, #tpu.memory_space<vmem_shared>>
    tpu.enqueue_indirect_dma source(%dma_start3A_38 : memref<208x128xf32, #tpu.memory_space<vmem_shared>>) target(%dma_start3A_32 : memref<128x128xf32, #tpu.memory_space<vmem>>) offsets(%dma_start3A_35 : memref<128xi32, #tpu.memory_space<vmem>>) semaphore(%arg11 : memref<!tpu.dma_semaphore, #tpu.memory_space<semaphore_mem>>)
    %dma_start3A_39 = arith.constant 3 : i32
    %dma_start3A_40 = arith.constant 384 : i32
    %dma_start3A_41 = arith.constant 0 : i32
    %dma_start3A_42 = tpu.memref_slice %arg7[%dma_start3A_40, %dma_start3A_41] : memref<512x128xf32, #tpu.memory_space<vmem>> -> memref<128x128xf32, #tpu.memory_space<vmem>>
    %dma_start3A_43 = arith.constant 0 : i32
    %dma_start3A_44 = tpu.memref_slice %arg6[%dma_start3A_39, %dma_start3A_43] : memref<104x128xi32, #tpu.memory_space<vmem>> -> memref<1x128xi32, #tpu.memory_space<vmem>>
    %dma_start3A_45 = tpu.memref_squeeze %dma_start3A_44 : memref<1x128xi32, #tpu.memory_space<vmem>> -> memref<128xi32, #tpu.memory_space<vmem>>
    %dma_start3A_46 = arith.constant 0 : i32
    %dma_start3A_47 = arith.constant 0 : i32
    %dma_start3A_48 = tpu.memref_slice %arg8[%dma_start3A_46, %dma_start3A_47] : memref<208x128xf32, #tpu.memory_space<vmem_shared>> -> memref<208x128xf32, #tpu.memory_space<vmem_shared>>
    tpu.enqueue_indirect_dma source(%dma_start3A_48 : memref<208x128xf32, #tpu.memory_space<vmem_shared>>) target(%dma_start3A_42 : memref<128x128xf32, #tpu.memory_space<vmem>>) offsets(%dma_start3A_45 : memref<128xi32, #tpu.memory_space<vmem>>) semaphore(%arg12 : memref<!tpu.dma_semaphore, #tpu.memory_space<semaphore_mem>>)
    %scan3A_49 = arith.constant 0 : i32
    %scan3A_50 = arith.constant 0 : i32
    %scan3A_51 = arith.constant 25 : i32
    %scan3A_52 = arith.addi %scan3A_50, %scan3A_51 : i32
    %scan3A_53 = arith.constant 1 : i32
    scf.for %scan3A_150 = %scan3A_50 to %scan3A_52 step %scan3A_53  : i32 {
      %mul3A_151 = arith.constant 4 : i32
      %mul3A_152 = arith.muli %mul3A_151, %scan3A_150 : i32
      %add3A_153 = arith.constant 4 : i32
      %add3A_154 = arith.addi %mul3A_152, %add3A_153 : i32
      %mul3A_155 = arith.constant 8 : i32
      %mul3A_156 = arith.muli %mul3A_155, %add3A_154 : i32
      %add3A_157 = arith.constant 8 : i32
      %add3A_158 = arith.addi %mul3A_152, %add3A_157 : i32
      %mul3A_159 = arith.constant 8 : i32
      %mul3A_160 = arith.muli %mul3A_159, %add3A_158 : i32
      %while3A = arith.constant 0 : i32
      %while3A_161 = arith.subi %mul3A_160, %mul3A_156 : i32
      %while3A_162 = arith.addi %mul3A_156, %while3A_161 : i32
      %while3A_163 = arith.constant 1 : i32
      %while3A_164 = arith.divsi %while3A_161, %while3A_163 : i32
      %while3A_165 = arith.muli %while3A_164, %while3A_163 : i32
      %while3A_166 = arith.addi %mul3A_156, %while3A_165 : i32
      %while3A_167 = arith.constant 1 : i32
      scf.for %while3A_341 = %mul3A_156 to %while3A_166 step %while3A_167  : i32 {
        %jit3A = arith.constant 13 : i32
        %div3A = arith.divsi %while3A_341, %jit3A : i32
        %sign3A = arith.constant 0 : i32
        %sign3A_342 = arith.cmpi sgt, %while3A_341, %sign3A : i32
        %sign3A_343 = arith.extui %sign3A_342 : i1 to i32
        %sign3A_344 = arith.constant 0 : i32
        %sign3A_345 = arith.cmpi slt, %while3A_341, %sign3A_344 : i32
        %sign3A_346 = arith.extui %sign3A_345 : i1 to i32
        %sign3A_347 = arith.subi %sign3A_343, %sign3A_346 : i32
        %sign3A_348 = arith.constant 0 : i32
        %sign3A_349 = arith.cmpi sgt, %jit3A, %sign3A_348 : i32
        %sign3A_350 = arith.extui %sign3A_349 : i1 to i32
        %sign3A_351 = arith.constant 0 : i32
        %sign3A_352 = arith.cmpi slt, %jit3A, %sign3A_351 : i32
        %sign3A_353 = arith.extui %sign3A_352 : i1 to i32
        %sign3A_354 = arith.subi %sign3A_350, %sign3A_353 : i32
        %ne3A = arith.cmpi ne, %sign3A_347, %sign3A_354 : i32
        %rem3A = arith.remsi %while3A_341, %jit3A : i32
        %ne3A_355 = arith.constant 0 : i32
        %ne3A_356 = arith.cmpi ne, %rem3A, %ne3A_355 : i32
        %and3A = arith.andi %ne3A, %ne3A_356 : i1
        %sub3A = arith.constant 1 : i32
        %sub3A_357 = arith.subi %div3A, %sub3A : i32
        %select_n3A = arith.select %and3A, %sub3A_357, %div3A : i32
        %iota3A = tpu.iota {dimensions = array<i32: 0>} : vector<16xi32>
        %jit3A_358 = arith.constant 13 : i32
        %eq3A_359 = arith.constant 0 : i32
        %eq3A_360 = arith.cmpi eq, %jit3A_358, %eq3A_359 : i32
        %jit3A_361 = arith.constant 1 : i32
        %select_n3A_362 = arith.select %eq3A_360, %jit3A_361, %jit3A_358 : i32
        %rem3A_363 = arith.remsi %while3A_341, %select_n3A_362 : i32
        %ne3A_364 = arith.constant 0 : i32
        %ne3A_365 = arith.cmpi ne, %rem3A_363, %ne3A_364 : i32
        %lt3A = arith.constant 0 : i32
        %lt3A_366 = arith.cmpi slt, %rem3A_363, %lt3A : i32
        %lt3A_367 = arith.constant 0 : i32
        %lt3A_368 = arith.cmpi slt, %select_n3A_362, %lt3A_367 : i32
        %ne3A_369 = arith.xori %lt3A_366, %lt3A_368 : i1
        %and3A_370 = arith.andi %ne3A_369, %ne3A_365 : i1
        %add3A_371 = arith.addi %rem3A_363, %select_n3A_362 : i32
        %select_n3A_372 = arith.select %and3A_370, %add3A_371, %rem3A_363 : i32
        %mul3A_373 = arith.constant 16 : i32
        %mul3A_374 = arith.muli %select_n3A_372, %mul3A_373 : i32
        %add3A_375 = vector.broadcast %mul3A_374 : i32 to vector<16xi32>
        %add3A_376 = arith.addi %iota3A, %add3A_375 : vector<16xi32>
        %shift_right_arithmetic3A = arith.constant 3 : i32
        %shift_right_arithmetic3A_377 = vector.broadcast %shift_right_arithmetic3A : i32 to vector<16xi32>
        %shift_right_arithmetic3A_378 = arith.shrsi %add3A_376, %shift_right_arithmetic3A_377 : vector<16xi32>
        %and3A_379 = arith.constant 7 : i32
        %and3A_380 = vector.broadcast %and3A_379 : i32 to vector<16xi32>
        %and3A_381 = arith.andi %add3A_376, %and3A_380 : vector<16xi32>
        %mul3A_382 = arith.constant 208 : i32
        %mul3A_383 = arith.muli %select_n3A, %mul3A_382 : i32
        %mul3A_384 = arith.constant 26 : i32
        %mul3A_385 = vector.broadcast %mul3A_384 : i32 to vector<16xi32>
        %mul3A_386 = arith.muli %and3A_381, %mul3A_385 : vector<16xi32>
        %add3A_387 = vector.broadcast %mul3A_383 : i32 to vector<16xi32>
        %add3A_388 = arith.addi %add3A_387, %mul3A_386 : vector<16xi32>
        %add3A_389 = arith.addi %add3A_388, %shift_right_arithmetic3A_378 : vector<16xi32>
        %gather3A = tpu.vector_load_idx %arg5[%add3A_389] : memref<13312xi32, #tpu.memory_space<vmem>>[vector<16xi32>], vector<16xi32>,
        %shift_left3A = arith.constant 3 : i32
        %shift_left3A_390 = vector.broadcast %shift_left3A : i32 to vector<16xi32>
        %shift_left3A_391 = arith.shli %shift_right_arithmetic3A_378, %shift_left3A_390 : vector<16xi32>
        %add3A_392 = arith.addi %gather3A, %shift_left3A_391 : vector<16xi32>
        %jit3A_393 = arith.constant 8 : i32
        %div3A_394 = arith.divsi %while3A_341, %jit3A_393 : i32
        %sign3A_395 = arith.constant 0 : i32
        %sign3A_396 = arith.cmpi sgt, %while3A_341, %sign3A_395 : i32
        %sign3A_397 = arith.extui %sign3A_396 : i1 to i32
        %sign3A_398 = arith.constant 0 : i32
        %sign3A_399 = arith.cmpi slt, %while3A_341, %sign3A_398 : i32
        %sign3A_400 = arith.extui %sign3A_399 : i1 to i32
        %sign3A_401 = arith.subi %sign3A_397, %sign3A_400 : i32
        %sign3A_402 = arith.constant 0 : i32
        %sign3A_403 = arith.cmpi sgt, %jit3A_393, %sign3A_402 : i32
        %sign3A_404 = arith.extui %sign3A_403 : i1 to i32
        %sign3A_405 = arith.constant 0 : i32
        %sign3A_406 = arith.cmpi slt, %jit3A_393, %sign3A_405 : i32
        %sign3A_407 = arith.extui %sign3A_406 : i1 to i32
        %sign3A_408 = arith.subi %sign3A_404, %sign3A_407 : i32
        %ne3A_409 = arith.cmpi ne, %sign3A_401, %sign3A_408 : i32
        %rem3A_410 = arith.remsi %while3A_341, %jit3A_393 : i32
        %ne3A_411 = arith.constant 0 : i32
        %ne3A_412 = arith.cmpi ne, %rem3A_410, %ne3A_411 : i32
        %and3A_413 = arith.andi %ne3A_409, %ne3A_412 : i1
        %sub3A_414 = arith.constant 1 : i32
        %sub3A_415 = arith.subi %div3A_394, %sub3A_414 : i32
        %select_n3A_416 = arith.select %and3A_413, %sub3A_415, %div3A_394 : i32
        %jit3A_417 = arith.constant 8 : i32
        %eq3A_418 = arith.constant 0 : i32
        %eq3A_419 = arith.cmpi eq, %jit3A_417, %eq3A_418 : i32
        %jit3A_420 = arith.constant 1 : i32
        %select_n3A_421 = arith.select %eq3A_419, %jit3A_420, %jit3A_417 : i32
        %rem3A_422 = arith.remsi %while3A_341, %select_n3A_421 : i32
        %ne3A_423 = arith.constant 0 : i32
        %ne3A_424 = arith.cmpi ne, %rem3A_422, %ne3A_423 : i32
        %lt3A_425 = arith.constant 0 : i32
        %lt3A_426 = arith.cmpi slt, %rem3A_422, %lt3A_425 : i32
        %lt3A_427 = arith.constant 0 : i32
        %lt3A_428 = arith.cmpi slt, %select_n3A_421, %lt3A_427 : i32
        %ne3A_429 = arith.xori %lt3A_426, %lt3A_428 : i1
        %and3A_430 = arith.andi %ne3A_429, %ne3A_424 : i1
        %add3A_431 = arith.addi %rem3A_422, %select_n3A_421 : i32
        %select_n3A_432 = arith.select %and3A_430, %add3A_431, %rem3A_422 : i32
        %mul3A_433 = arith.constant 16 : i32
        %mul3A_434 = arith.muli %select_n3A_432, %mul3A_433 : i32
        %swap3A = arith.index_cast %select_n3A_416 : i32 to index
        %swap3A_435 = arith.index_cast %mul3A_434 : i32 to index
        %swap3A_436 = tpu.vector_load %arg6[%swap3A, %swap3A_435] {strides = array<i32>} : memref<104x128xi32, #tpu.memory_space<vmem>>, vector<16xi32>,
        tpu.vector_store %arg6[%swap3A, %swap3A_435], %add3A_392 {strides = array<i32>} : memref<104x128xi32, #tpu.memory_space<vmem>>, vector<16xi32>,
      }
      %while3A_168 = arith.constant 1 : i32
      scf.for %while3A_341 = %while3A_166 to %while3A_162 step %while3A_168  : i32 {
        %jit3A = arith.constant 13 : i32
        %div3A = arith.divsi %while3A_341, %jit3A : i32
        %sign3A = arith.constant 0 : i32
        %sign3A_342 = arith.cmpi sgt, %while3A_341, %sign3A : i32
        %sign3A_343 = arith.extui %sign3A_342 : i1 to i32
        %sign3A_344 = arith.constant 0 : i32
        %sign3A_345 = arith.cmpi slt, %while3A_341, %sign3A_344 : i32
        %sign3A_346 = arith.extui %sign3A_345 : i1 to i32
        %sign3A_347 = arith.subi %sign3A_343, %sign3A_346 : i32
        %sign3A_348 = arith.constant 0 : i32
        %sign3A_349 = arith.cmpi sgt, %jit3A, %sign3A_348 : i32
        %sign3A_350 = arith.extui %sign3A_349 : i1 to i32
        %sign3A_351 = arith.constant 0 : i32
        %sign3A_352 = arith.cmpi slt, %jit3A, %sign3A_351 : i32
        %sign3A_353 = arith.extui %sign3A_352 : i1 to i32
        %sign3A_354 = arith.subi %sign3A_350, %sign3A_353 : i32
        %ne3A = arith.cmpi ne, %sign3A_347, %sign3A_354 : i32
        %rem3A = arith.remsi %while3A_341, %jit3A : i32
        %ne3A_355 = arith.constant 0 : i32
        %ne3A_356 = arith.cmpi ne, %rem3A, %ne3A_355 : i32
        %and3A = arith.andi %ne3A, %ne3A_356 : i1
        %sub3A = arith.constant 1 : i32
        %sub3A_357 = arith.subi %div3A, %sub3A : i32
        %select_n3A = arith.select %and3A, %sub3A_357, %div3A : i32
        %iota3A = tpu.iota {dimensions = array<i32: 0>} : vector<16xi32>
        %jit3A_358 = arith.constant 13 : i32
        %eq3A_359 = arith.constant 0 : i32
        %eq3A_360 = arith.cmpi eq, %jit3A_358, %eq3A_359 : i32
        %jit3A_361 = arith.constant 1 : i32
        %select_n3A_362 = arith.select %eq3A_360, %jit3A_361, %jit3A_358 : i32
        %rem3A_363 = arith.remsi %while3A_341, %select_n3A_362 : i32
        %ne3A_364 = arith.constant 0 : i32
        %ne3A_365 = arith.cmpi ne, %rem3A_363, %ne3A_364 : i32
        %lt3A = arith.constant 0 : i32
        %lt3A_366 = arith.cmpi slt, %rem3A_363, %lt3A : i32
        %lt3A_367 = arith.constant 0 : i32
        %lt3A_368 = arith.cmpi slt, %select_n3A_362, %lt3A_367 : i32
        %ne3A_369 = arith.xori %lt3A_366, %lt3A_368 : i1
        %and3A_370 = arith.andi %ne3A_369, %ne3A_365 : i1
        %add3A_371 = arith.addi %rem3A_363, %select_n3A_362 : i32
        %select_n3A_372 = arith.select %and3A_370, %add3A_371, %rem3A_363 : i32
        %mul3A_373 = arith.constant 16 : i32
        %mul3A_374 = arith.muli %select_n3A_372, %mul3A_373 : i32
        %add3A_375 = vector.broadcast %mul3A_374 : i32 to vector<16xi32>
        %add3A_376 = arith.addi %iota3A, %add3A_375 : vector<16xi32>
        %shift_right_arithmetic3A = arith.constant 3 : i32
        %shift_right_arithmetic3A_377 = vector.broadcast %shift_right_arithmetic3A : i32 to vector<16xi32>
        %shift_right_arithmetic3A_378 = arith.shrsi %add3A_376, %shift_right_arithmetic3A_377 : vector<16xi32>
        %and3A_379 = arith.constant 7 : i32
        %and3A_380 = vector.broadcast %and3A_379 : i32 to vector<16xi32>
        %and3A_381 = arith.andi %add3A_376, %and3A_380 : vector<16xi32>
        %mul3A_382 = arith.constant 208 : i32
        %mul3A_383 = arith.muli %select_n3A, %mul3A_382 : i32
        %mul3A_384 = arith.constant 26 : i32
        %mul3A_385 = vector.broadcast %mul3A_384 : i32 to vector<16xi32>
        %mul3A_386 = arith.muli %and3A_381, %mul3A_385 : vector<16xi32>
        %add3A_387 = vector.broadcast %mul3A_383 : i32 to vector<16xi32>
        %add3A_388 = arith.addi %add3A_387, %mul3A_386 : vector<16xi32>
        %add3A_389 = arith.addi %add3A_388, %shift_right_arithmetic3A_378 : vector<16xi32>
        %gather3A = tpu.vector_load_idx %arg5[%add3A_389] : memref<13312xi32, #tpu.memory_space<vmem>>[vector<16xi32>], vector<16xi32>,
        %shift_left3A = arith.constant 3 : i32
        %shift_left3A_390 = vector.broadcast %shift_left3A : i32 to vector<16xi32>
        %shift_left3A_391 = arith.shli %shift_right_arithmetic3A_378, %shift_left3A_390 : vector<16xi32>
        %add3A_392 = arith.addi %gather3A, %shift_left3A_391 : vector<16xi32>
        %jit3A_393 = arith.constant 8 : i32
        %div3A_394 = arith.divsi %while3A_341, %jit3A_393 : i32
        %sign3A_395 = arith.constant 0 : i32
        %sign3A_396 = arith.cmpi sgt, %while3A_341, %sign3A_395 : i32
        %sign3A_397 = arith.extui %sign3A_396 : i1 to i32
        %sign3A_398 = arith.constant 0 : i32
        %sign3A_399 = arith.cmpi slt, %while3A_341, %sign3A_398 : i32
        %sign3A_400 = arith.extui %sign3A_399 : i1 to i32
        %sign3A_401 = arith.subi %sign3A_397, %sign3A_400 : i32
        %sign3A_402 = arith.constant 0 : i32
        %sign3A_403 = arith.cmpi sgt, %jit3A_393, %sign3A_402 : i32
        %sign3A_404 = arith.extui %sign3A_403 : i1 to i32
        %sign3A_405 = arith.constant 0 : i32
        %sign3A_406 = arith.cmpi slt, %jit3A_393, %sign3A_405 : i32
        %sign3A_407 = arith.extui %sign3A_406 : i1 to i32
        %sign3A_408 = arith.subi %sign3A_404, %sign3A_407 : i32
        %ne3A_409 = arith.cmpi ne, %sign3A_401, %sign3A_408 : i32
        %rem3A_410 = arith.remsi %while3A_341, %jit3A_393 : i32
        %ne3A_411 = arith.constant 0 : i32
        %ne3A_412 = arith.cmpi ne, %rem3A_410, %ne3A_411 : i32
        %and3A_413 = arith.andi %ne3A_409, %ne3A_412 : i1
        %sub3A_414 = arith.constant 1 : i32
        %sub3A_415 = arith.subi %div3A_394, %sub3A_414 : i32
        %select_n3A_416 = arith.select %and3A_413, %sub3A_415, %div3A_394 : i32
        %jit3A_417 = arith.constant 8 : i32
        %eq3A_418 = arith.constant 0 : i32
        %eq3A_419 = arith.cmpi eq, %jit3A_417, %eq3A_418 : i32
        %jit3A_420 = arith.constant 1 : i32
        %select_n3A_421 = arith.select %eq3A_419, %jit3A_420, %jit3A_417 : i32
        %rem3A_422 = arith.remsi %while3A_341, %select_n3A_421 : i32
        %ne3A_423 = arith.constant 0 : i32
        %ne3A_424 = arith.cmpi ne, %rem3A_422, %ne3A_423 : i32
        %lt3A_425 = arith.constant 0 : i32
        %lt3A_426 = arith.cmpi slt, %rem3A_422, %lt3A_425 : i32
        %lt3A_427 = arith.constant 0 : i32
        %lt3A_428 = arith.cmpi slt, %select_n3A_421, %lt3A_427 : i32
        %ne3A_429 = arith.xori %lt3A_426, %lt3A_428 : i1
        %and3A_430 = arith.andi %ne3A_429, %ne3A_424 : i1
        %add3A_431 = arith.addi %rem3A_422, %select_n3A_421 : i32
        %select_n3A_432 = arith.select %and3A_430, %add3A_431, %rem3A_422 : i32
        %mul3A_433 = arith.constant 16 : i32
        %mul3A_434 = arith.muli %select_n3A_432, %mul3A_433 : i32
        %swap3A = arith.index_cast %select_n3A_416 : i32 to index
        %swap3A_435 = arith.index_cast %mul3A_434 : i32 to index
        %swap3A_436 = tpu.vector_load %arg6[%swap3A, %swap3A_435] {strides = array<i32>} : memref<104x128xi32, #tpu.memory_space<vmem>>, vector<16xi32>,
        tpu.vector_store %arg6[%swap3A, %swap3A_435], %add3A_392 {strides = array<i32>} : memref<104x128xi32, #tpu.memory_space<vmem>>, vector<16xi32>,
      }
      %add3A_169 = arith.constant 0 : i32
      %add3A_170 = arith.addi %mul3A_152, %add3A_169 : i32
      %dma_wait3A_171 = arith.constant 0 : i32
      %dma_wait3A_172 = arith.constant 0 : i32
      %dma_wait3A_173 = tpu.memref_slice %arg7[%dma_wait3A_171, %dma_wait3A_172] : memref<512x128xf32, #tpu.memory_space<vmem>> -> memref<128x128xf32, #tpu.memory_space<vmem>>
      %dma_wait3A_174 = arith.constant 0 : i32
      %dma_wait3A_175 = tpu.memref_slice %arg6[%add3A_170, %dma_wait3A_174] : memref<104x128xi32, #tpu.memory_space<vmem>> -> memref<1x128xi32, #tpu.memory_space<vmem>>
      %dma_wait3A_176 = tpu.memref_squeeze %dma_wait3A_175 : memref<1x128xi32, #tpu.memory_space<vmem>> -> memref<128xi32, #tpu.memory_space<vmem>>
      %dma_wait3A_177 = arith.constant 0 : i32
      %dma_wait3A_178 = arith.constant 0 : i32
      %dma_wait3A_179 = tpu.memref_slice %arg8[%dma_wait3A_177, %dma_wait3A_178] : memref<208x128xf32, #tpu.memory_space<vmem_shared>> -> memref<208x128xf32, #tpu.memory_space<vmem_shared>>
      tpu.wait_indirect_dma semaphore(%arg9 : memref<!tpu.dma_semaphore, #tpu.memory_space<semaphore_mem>>) src(%dma_wait3A_179 : memref<208x128xf32, #tpu.memory_space<vmem_shared>>) dst(%dma_wait3A_173 : memref<128x128xf32, #tpu.memory_space<vmem>>)
      %add3A_180 = arith.constant 0 : i32
      %add3A_181 = arith.addi %mul3A_152, %add3A_180 : i32
      %add3A_182 = arith.constant 1 : i32
      %add3A_183 = arith.addi %add3A_181, %add3A_182 : i32
      %dma_wait3A_184 = arith.constant 128 : i32
      %dma_wait3A_185 = arith.constant 0 : i32
      %dma_wait3A_186 = tpu.memref_slice %arg7[%dma_wait3A_184, %dma_wait3A_185] : memref<512x128xf32, #tpu.memory_space<vmem>> -> memref<128x128xf32, #tpu.memory_space<vmem>>
      %dma_wait3A_187 = arith.constant 0 : i32
      %dma_wait3A_188 = tpu.memref_slice %arg6[%add3A_183, %dma_wait3A_187] : memref<104x128xi32, #tpu.memory_space<vmem>> -> memref<1x128xi32, #tpu.memory_space<vmem>>
      %dma_wait3A_189 = tpu.memref_squeeze %dma_wait3A_188 : memref<1x128xi32, #tpu.memory_space<vmem>> -> memref<128xi32, #tpu.memory_space<vmem>>
      %dma_wait3A_190 = arith.constant 0 : i32
      %dma_wait3A_191 = arith.constant 0 : i32
      %dma_wait3A_192 = tpu.memref_slice %arg8[%dma_wait3A_190, %dma_wait3A_191] : memref<208x128xf32, #tpu.memory_space<vmem_shared>> -> memref<208x128xf32, #tpu.memory_space<vmem_shared>>
      tpu.wait_indirect_dma semaphore(%arg10 : memref<!tpu.dma_semaphore, #tpu.memory_space<semaphore_mem>>) src(%dma_wait3A_192 : memref<208x128xf32, #tpu.memory_space<vmem_shared>>) dst(%dma_wait3A_186 : memref<128x128xf32, #tpu.memory_space<vmem>>)
      %add3A_193 = arith.constant 0 : i32
      %add3A_194 = arith.addi %mul3A_152, %add3A_193 : i32
      %mul3A_195 = arith.constant 128 : i32
      %mul3A_196 = arith.muli %add3A_194, %mul3A_195 : i32
      %add3A_197 = arith.addi %mul3A_9, %mul3A_196 : i32
      %dma_start3A_198 = arith.constant 0 : i32
      %dma_start3A_199 = arith.constant 0 : i32
      %dma_start3A_200 = tpu.memref_slice %arg7[%dma_start3A_198, %dma_start3A_199] : memref<512x128xf32, #tpu.memory_space<vmem>> -> memref<256x128xf32, #tpu.memory_space<vmem>>
      %dma_start3A_201 = tpu.memref_reshape %arg4 : memref<2048x26x8x128xf32, #tpu.memory_space<hbm>> -> memref<425984x128xf32, #tpu.memory_space<hbm>>
      %dma_start3A_202 = arith.constant 0 : i32
      %dma_start3A_203 = tpu.memref_slice %dma_start3A_201[%add3A_197, %dma_start3A_202] : memref<425984x128xf32, #tpu.memory_space<hbm>> -> memref<256x128xf32, #tpu.memory_space<hbm>>
      %dma_start3A_204 = tpu.memref_reshape %arg4 : memref<2048x26x8x128xf32, #tpu.memory_space<hbm>> -> memref<425984x128xf32, #tpu.memory_space<hbm>>
      %dma_start3A_205 = arith.constant 0 : i32
      %dma_start3A_206 = tpu.memref_slice %dma_start3A_204[%add3A_197, %dma_start3A_205] : memref<425984x128xf32, #tpu.memory_space<hbm>> -> memref<256x128xf32, #tpu.memory_space<hbm>>
      %dma_start3A_207 = arith.constant 0 : i32
      %dma_start3A_208 = arith.constant 0 : i32
      %dma_start3A_209 = tpu.memref_slice %arg7[%dma_start3A_207, %dma_start3A_208] : memref<512x128xf32, #tpu.memory_space<vmem>> -> memref<256x128xf32, #tpu.memory_space<vmem>>
      tpu.enqueue_dma source(%dma_start3A_209 : memref<256x128xf32, #tpu.memory_space<vmem>>) target(%dma_start3A_206 : memref<256x128xf32, #tpu.memory_space<hbm>>) target_semaphore(%arg13 : memref<!tpu.dma_semaphore, #tpu.memory_space<semaphore_mem>>)
      %add3A_210 = arith.constant 2 : i32
      %add3A_211 = arith.addi %mul3A_152, %add3A_210 : i32
      %dma_wait3A_212 = arith.constant 256 : i32
      %dma_wait3A_213 = arith.constant 0 : i32
      %dma_wait3A_214 = tpu.memref_slice %arg7[%dma_wait3A_212, %dma_wait3A_213] : memref<512x128xf32, #tpu.memory_space<vmem>> -> memref<128x128xf32, #tpu.memory_space<vmem>>
      %dma_wait3A_215 = arith.constant 0 : i32
      %dma_wait3A_216 = tpu.memref_slice %arg6[%add3A_211, %dma_wait3A_215] : memref<104x128xi32, #tpu.memory_space<vmem>> -> memref<1x128xi32, #tpu.memory_space<vmem>>
      %dma_wait3A_217 = tpu.memref_squeeze %dma_wait3A_216 : memref<1x128xi32, #tpu.memory_space<vmem>> -> memref<128xi32, #tpu.memory_space<vmem>>
      %dma_wait3A_218 = arith.constant 0 : i32
      %dma_wait3A_219 = arith.constant 0 : i32
      %dma_wait3A_220 = tpu.memref_slice %arg8[%dma_wait3A_218, %dma_wait3A_219] : memref<208x128xf32, #tpu.memory_space<vmem_shared>> -> memref<208x128xf32, #tpu.memory_space<vmem_shared>>
      tpu.wait_indirect_dma semaphore(%arg11 : memref<!tpu.dma_semaphore, #tpu.memory_space<semaphore_mem>>) src(%dma_wait3A_220 : memref<208x128xf32, #tpu.memory_space<vmem_shared>>) dst(%dma_wait3A_214 : memref<128x128xf32, #tpu.memory_space<vmem>>)
      %add3A_221 = arith.constant 2 : i32
      %add3A_222 = arith.addi %mul3A_152, %add3A_221 : i32
      %add3A_223 = arith.constant 1 : i32
      %add3A_224 = arith.addi %add3A_222, %add3A_223 : i32
      %dma_wait3A_225 = arith.constant 384 : i32
      %dma_wait3A_226 = arith.constant 0 : i32
      %dma_wait3A_227 = tpu.memref_slice %arg7[%dma_wait3A_225, %dma_wait3A_226] : memref<512x128xf32, #tpu.memory_space<vmem>> -> memref<128x128xf32, #tpu.memory_space<vmem>>
      %dma_wait3A_228 = arith.constant 0 : i32
      %dma_wait3A_229 = tpu.memref_slice %arg6[%add3A_224, %dma_wait3A_228] : memref<104x128xi32, #tpu.memory_space<vmem>> -> memref<1x128xi32, #tpu.memory_space<vmem>>
      %dma_wait3A_230 = tpu.memref_squeeze %dma_wait3A_229 : memref<1x128xi32, #tpu.memory_space<vmem>> -> memref<128xi32, #tpu.memory_space<vmem>>
      %dma_wait3A_231 = arith.constant 0 : i32
      %dma_wait3A_232 = arith.constant 0 : i32
      %dma_wait3A_233 = tpu.memref_slice %arg8[%dma_wait3A_231, %dma_wait3A_232] : memref<208x128xf32, #tpu.memory_space<vmem_shared>> -> memref<208x128xf32, #tpu.memory_space<vmem_shared>>
      tpu.wait_indirect_dma semaphore(%arg12 : memref<!tpu.dma_semaphore, #tpu.memory_space<semaphore_mem>>) src(%dma_wait3A_233 : memref<208x128xf32, #tpu.memory_space<vmem_shared>>) dst(%dma_wait3A_227 : memref<128x128xf32, #tpu.memory_space<vmem>>)
      %add3A_234 = arith.constant 2 : i32
      %add3A_235 = arith.addi %mul3A_152, %add3A_234 : i32
      %mul3A_236 = arith.constant 128 : i32
      %mul3A_237 = arith.muli %add3A_235, %mul3A_236 : i32
      %add3A_238 = arith.addi %mul3A_9, %mul3A_237 : i32
      %dma_start3A_239 = arith.constant 256 : i32
      %dma_start3A_240 = arith.constant 0 : i32
      %dma_start3A_241 = tpu.memref_slice %arg7[%dma_start3A_239, %dma_start3A_240] : memref<512x128xf32, #tpu.memory_space<vmem>> -> memref<256x128xf32, #tpu.memory_space<vmem>>
      %dma_start3A_242 = tpu.memref_reshape %arg4 : memref<2048x26x8x128xf32, #tpu.memory_space<hbm>> -> memref<425984x128xf32, #tpu.memory_space<hbm>>
      %dma_start3A_243 = arith.constant 0 : i32
      %dma_start3A_244 = tpu.memref_slice %dma_start3A_242[%add3A_238, %dma_start3A_243] : memref<425984x128xf32, #tpu.memory_space<hbm>> -> memref<256x128xf32, #tpu.memory_space<hbm>>
      %dma_start3A_245 = tpu.memref_reshape %arg4 : memref<2048x26x8x128xf32, #tpu.memory_space<hbm>> -> memref<425984x128xf32, #tpu.memory_space<hbm>>
      %dma_start3A_246 = arith.constant 0 : i32
      %dma_start3A_247 = tpu.memref_slice %dma_start3A_245[%add3A_238, %dma_start3A_246] : memref<425984x128xf32, #tpu.memory_space<hbm>> -> memref<256x128xf32, #tpu.memory_space<hbm>>
      %dma_start3A_248 = arith.constant 256 : i32
      %dma_start3A_249 = arith.constant 0 : i32
      %dma_start3A_250 = tpu.memref_slice %arg7[%dma_start3A_248, %dma_start3A_249] : memref<512x128xf32, #tpu.memory_space<vmem>> -> memref<256x128xf32, #tpu.memory_space<vmem>>
      tpu.enqueue_dma source(%dma_start3A_250 : memref<256x128xf32, #tpu.memory_space<vmem>>) target(%dma_start3A_247 : memref<256x128xf32, #tpu.memory_space<hbm>>) target_semaphore(%arg14 : memref<!tpu.dma_semaphore, #tpu.memory_space<semaphore_mem>>)
      %add3A_251 = arith.constant 0 : i32
      %add3A_252 = arith.addi %mul3A_152, %add3A_251 : i32
      %mul3A_253 = arith.constant 128 : i32
      %mul3A_254 = arith.muli %add3A_252, %mul3A_253 : i32
      %add3A_255 = arith.addi %mul3A_9, %mul3A_254 : i32
      %dma_wait3A_256 = arith.constant 0 : i32
      %dma_wait3A_257 = arith.constant 0 : i32
      %dma_wait3A_258 = tpu.memref_slice %arg7[%dma_wait3A_256, %dma_wait3A_257] : memref<512x128xf32, #tpu.memory_space<vmem>> -> memref<256x128xf32, #tpu.memory_space<vmem>>
      %dma_wait3A_259 = tpu.memref_reshape %arg4 : memref<2048x26x8x128xf32, #tpu.memory_space<hbm>> -> memref<425984x128xf32, #tpu.memory_space<hbm>>
      %dma_wait3A_260 = arith.constant 0 : i32
      %dma_wait3A_261 = tpu.memref_slice %dma_wait3A_259[%add3A_255, %dma_wait3A_260] : memref<425984x128xf32, #tpu.memory_space<hbm>> -> memref<256x128xf32, #tpu.memory_space<hbm>>
      %dma_wait3A_262 = tpu.memref_reshape %arg4 : memref<2048x26x8x128xf32, #tpu.memory_space<hbm>> -> memref<425984x128xf32, #tpu.memory_space<hbm>>
      %dma_wait3A_263 = arith.constant 0 : i32
      %dma_wait3A_264 = tpu.memref_slice %dma_wait3A_262[%add3A_255, %dma_wait3A_263] : memref<425984x128xf32, #tpu.memory_space<hbm>> -> memref<256x128xf32, #tpu.memory_space<hbm>>
      %dma_wait3A_265 = arith.constant 0 : i32
      %dma_wait3A_266 = arith.constant 0 : i32
      %dma_wait3A_267 = tpu.memref_slice %arg7[%dma_wait3A_265, %dma_wait3A_266] : memref<512x128xf32, #tpu.memory_space<vmem>> -> memref<256x128xf32, #tpu.memory_space<vmem>>
      tpu.wait_dma2 semaphore(%arg13 : memref<!tpu.dma_semaphore, #tpu.memory_space<semaphore_mem>>) src(%dma_wait3A_267 : memref<256x128xf32, #tpu.memory_space<vmem>>) dst(%dma_wait3A_264 : memref<256x128xf32, #tpu.memory_space<hbm>>)
      %add3A_268 = arith.constant 4 : i32
      %add3A_269 = arith.addi %mul3A_152, %add3A_268 : i32
      %add3A_270 = arith.constant 0 : i32
      %add3A_271 = arith.addi %add3A_269, %add3A_270 : i32
      %dma_start3A_272 = arith.constant 0 : i32
      %dma_start3A_273 = arith.constant 0 : i32
      %dma_start3A_274 = tpu.memref_slice %arg7[%dma_start3A_272, %dma_start3A_273] : memref<512x128xf32, #tpu.memory_space<vmem>> -> memref<128x128xf32, #tpu.memory_space<vmem>>
      %dma_start3A_275 = arith.constant 0 : i32
      %dma_start3A_276 = tpu.memref_slice %arg6[%add3A_271, %dma_start3A_275] : memref<104x128xi32, #tpu.memory_space<vmem>> -> memref<1x128xi32, #tpu.memory_space<vmem>>
      %dma_start3A_277 = tpu.memref_squeeze %dma_start3A_276 : memref<1x128xi32, #tpu.memory_space<vmem>> -> memref<128xi32, #tpu.memory_space<vmem>>
      %dma_start3A_278 = arith.constant 0 : i32
      %dma_start3A_279 = arith.constant 0 : i32
      %dma_start3A_280 = tpu.memref_slice %arg8[%dma_start3A_278, %dma_start3A_279] : memref<208x128xf32, #tpu.memory_space<vmem_shared>> -> memref<208x128xf32, #tpu.memory_space<vmem_shared>>
      tpu.enqueue_indirect_dma source(%dma_start3A_280 : memref<208x128xf32, #tpu.memory_space<vmem_shared>>) target(%dma_start3A_274 : memref<128x128xf32, #tpu.memory_space<vmem>>) offsets(%dma_start3A_277 : memref<128xi32, #tpu.memory_space<vmem>>) semaphore(%arg9 : memref<!tpu.dma_semaphore, #tpu.memory_space<semaphore_mem>>)
      %add3A_281 = arith.constant 4 : i32
      %add3A_282 = arith.addi %mul3A_152, %add3A_281 : i32
      %add3A_283 = arith.constant 0 : i32
      %add3A_284 = arith.addi %add3A_282, %add3A_283 : i32
      %add3A_285 = arith.constant 1 : i32
      %add3A_286 = arith.addi %add3A_284, %add3A_285 : i32
      %dma_start3A_287 = arith.constant 128 : i32
      %dma_start3A_288 = arith.constant 0 : i32
      %dma_start3A_289 = tpu.memref_slice %arg7[%dma_start3A_287, %dma_start3A_288] : memref<512x128xf32, #tpu.memory_space<vmem>> -> memref<128x128xf32, #tpu.memory_space<vmem>>
      %dma_start3A_290 = arith.constant 0 : i32
      %dma_start3A_291 = tpu.memref_slice %arg6[%add3A_286, %dma_start3A_290] : memref<104x128xi32, #tpu.memory_space<vmem>> -> memref<1x128xi32, #tpu.memory_space<vmem>>
      %dma_start3A_292 = tpu.memref_squeeze %dma_start3A_291 : memref<1x128xi32, #tpu.memory_space<vmem>> -> memref<128xi32, #tpu.memory_space<vmem>>
      %dma_start3A_293 = arith.constant 0 : i32
      %dma_start3A_294 = arith.constant 0 : i32
      %dma_start3A_295 = tpu.memref_slice %arg8[%dma_start3A_293, %dma_start3A_294] : memref<208x128xf32, #tpu.memory_space<vmem_shared>> -> memref<208x128xf32, #tpu.memory_space<vmem_shared>>
      tpu.enqueue_indirect_dma source(%dma_start3A_295 : memref<208x128xf32, #tpu.memory_space<vmem_shared>>) target(%dma_start3A_289 : memref<128x128xf32, #tpu.memory_space<vmem>>) offsets(%dma_start3A_292 : memref<128xi32, #tpu.memory_space<vmem>>) semaphore(%arg10 : memref<!tpu.dma_semaphore, #tpu.memory_space<semaphore_mem>>)
      %add3A_296 = arith.constant 2 : i32
      %add3A_297 = arith.addi %mul3A_152, %add3A_296 : i32
      %mul3A_298 = arith.constant 128 : i32
      %mul3A_299 = arith.muli %add3A_297, %mul3A_298 : i32
      %add3A_300 = arith.addi %mul3A_9, %mul3A_299 : i32
      %dma_wait3A_301 = arith.constant 256 : i32
      %dma_wait3A_302 = arith.constant 0 : i32
      %dma_wait3A_303 = tpu.memref_slice %arg7[%dma_wait3A_301, %dma_wait3A_302] : memref<512x128xf32, #tpu.memory_space<vmem>> -> memref<256x128xf32, #tpu.memory_space<vmem>>
      %dma_wait3A_304 = tpu.memref_reshape %arg4 : memref<2048x26x8x128xf32, #tpu.memory_space<hbm>> -> memref<425984x128xf32, #tpu.memory_space<hbm>>
      %dma_wait3A_305 = arith.constant 0 : i32
      %dma_wait3A_306 = tpu.memref_slice %dma_wait3A_304[%add3A_300, %dma_wait3A_305] : memref<425984x128xf32, #tpu.memory_space<hbm>> -> memref<256x128xf32, #tpu.memory_space<hbm>>
      %dma_wait3A_307 = tpu.memref_reshape %arg4 : memref<2048x26x8x128xf32, #tpu.memory_space<hbm>> -> memref<425984x128xf32, #tpu.memory_space<hbm>>
      %dma_wait3A_308 = arith.constant 0 : i32
      %dma_wait3A_309 = tpu.memref_slice %dma_wait3A_307[%add3A_300, %dma_wait3A_308] : memref<425984x128xf32, #tpu.memory_space<hbm>> -> memref<256x128xf32, #tpu.memory_space<hbm>>
      %dma_wait3A_310 = arith.constant 256 : i32
      %dma_wait3A_311 = arith.constant 0 : i32
      %dma_wait3A_312 = tpu.memref_slice %arg7[%dma_wait3A_310, %dma_wait3A_311] : memref<512x128xf32, #tpu.memory_space<vmem>> -> memref<256x128xf32, #tpu.memory_space<vmem>>
      tpu.wait_dma2 semaphore(%arg14 : memref<!tpu.dma_semaphore, #tpu.memory_space<semaphore_mem>>) src(%dma_wait3A_312 : memref<256x128xf32, #tpu.memory_space<vmem>>) dst(%dma_wait3A_309 : memref<256x128xf32, #tpu.memory_space<hbm>>)
      %add3A_313 = arith.constant 4 : i32
      %add3A_314 = arith.addi %mul3A_152, %add3A_313 : i32
      %add3A_315 = arith.constant 2 : i32
      %add3A_316 = arith.addi %add3A_314, %add3A_315 : i32
      %dma_start3A_317 = arith.constant 256 : i32
      %dma_start3A_318 = arith.constant 0 : i32
      %dma_start3A_319 = tpu.memref_slice %arg7[%dma_start3A_317, %dma_start3A_318] : memref<512x128xf32, #tpu.memory_space<vmem>> -> memref<128x128xf32, #tpu.memory_space<vmem>>
      %dma_start3A_320 = arith.constant 0 : i32
      %dma_start3A_321 = tpu.memref_slice %arg6[%add3A_316, %dma_start3A_320] : memref<104x128xi32, #tpu.memory_space<vmem>> -> memref<1x128xi32, #tpu.memory_space<vmem>>
      %dma_start3A_322 = tpu.memref_squeeze %dma_start3A_321 : memref<1x128xi32, #tpu.memory_space<vmem>> -> memref<128xi32, #tpu.memory_space<vmem>>
      %dma_start3A_323 = arith.constant 0 : i32
      %dma_start3A_324 = arith.constant 0 : i32
      %dma_start3A_325 = tpu.memref_slice %arg8[%dma_start3A_323, %dma_start3A_324] : memref<208x128xf32, #tpu.memory_space<vmem_shared>> -> memref<208x128xf32, #tpu.memory_space<vmem_shared>>
      tpu.enqueue_indirect_dma source(%dma_start3A_325 : memref<208x128xf32, #tpu.memory_space<vmem_shared>>) target(%dma_start3A_319 : memref<128x128xf32, #tpu.memory_space<vmem>>) offsets(%dma_start3A_322 : memref<128xi32, #tpu.memory_space<vmem>>) semaphore(%arg11 : memref<!tpu.dma_semaphore, #tpu.memory_space<semaphore_mem>>)
      %add3A_326 = arith.constant 4 : i32
      %add3A_327 = arith.addi %mul3A_152, %add3A_326 : i32
      %add3A_328 = arith.constant 2 : i32
      %add3A_329 = arith.addi %add3A_327, %add3A_328 : i32
      %add3A_330 = arith.constant 1 : i32
      %add3A_331 = arith.addi %add3A_329, %add3A_330 : i32
      %dma_start3A_332 = arith.constant 384 : i32
      %dma_start3A_333 = arith.constant 0 : i32
      %dma_start3A_334 = tpu.memref_slice %arg7[%dma_start3A_332, %dma_start3A_333] : memref<512x128xf32, #tpu.memory_space<vmem>> -> memref<128x128xf32, #tpu.memory_space<vmem>>
      %dma_start3A_335 = arith.constant 0 : i32
      %dma_start3A_336 = tpu.memref_slice %arg6[%add3A_331, %dma_start3A_335] : memref<104x128xi32, #tpu.memory_space<vmem>> -> memref<1x128xi32, #tpu.memory_space<vmem>>
      %dma_start3A_337 = tpu.memref_squeeze %dma_start3A_336 : memref<1x128xi32, #tpu.memory_space<vmem>> -> memref<128xi32, #tpu.memory_space<vmem>>
      %dma_start3A_338 = arith.constant 0 : i32
      %dma_start3A_339 = arith.constant 0 : i32
      %dma_start3A_340 = tpu.memref_slice %arg8[%dma_start3A_338, %dma_start3A_339] : memref<208x128xf32, #tpu.memory_space<vmem_shared>> -> memref<208x128xf32, #tpu.memory_space<vmem_shared>>
      tpu.enqueue_indirect_dma source(%dma_start3A_340 : memref<208x128xf32, #tpu.memory_space<vmem_shared>>) target(%dma_start3A_334 : memref<128x128xf32, #tpu.memory_space<vmem>>) offsets(%dma_start3A_337 : memref<128xi32, #tpu.memory_space<vmem>>) semaphore(%arg12 : memref<!tpu.dma_semaphore, #tpu.memory_space<semaphore_mem>>)
    }
    %scan3A_54 = arith.constant 25 : i32
    %dma_wait3A = arith.constant 100 : i32
    %dma_wait3A_55 = arith.constant 0 : i32
    %dma_wait3A_56 = arith.constant 0 : i32
    %dma_wait3A_57 = tpu.memref_slice %arg7[%dma_wait3A_55, %dma_wait3A_56] : memref<512x128xf32, #tpu.memory_space<vmem>> -> memref<128x128xf32, #tpu.memory_space<vmem>>
    %dma_wait3A_58 = arith.constant 0 : i32
    %dma_wait3A_59 = tpu.memref_slice %arg6[%dma_wait3A, %dma_wait3A_58] : memref<104x128xi32, #tpu.memory_space<vmem>> -> memref<1x128xi32, #tpu.memory_space<vmem>>
    %dma_wait3A_60 = tpu.memref_squeeze %dma_wait3A_59 : memref<1x128xi32, #tpu.memory_space<vmem>> -> memref<128xi32, #tpu.memory_space<vmem>>
    %dma_wait3A_61 = arith.constant 0 : i32
    %dma_wait3A_62 = arith.constant 0 : i32
    %dma_wait3A_63 = tpu.memref_slice %arg8[%dma_wait3A_61, %dma_wait3A_62] : memref<208x128xf32, #tpu.memory_space<vmem_shared>> -> memref<208x128xf32, #tpu.memory_space<vmem_shared>>
    tpu.wait_indirect_dma semaphore(%arg9 : memref<!tpu.dma_semaphore, #tpu.memory_space<semaphore_mem>>) src(%dma_wait3A_63 : memref<208x128xf32, #tpu.memory_space<vmem_shared>>) dst(%dma_wait3A_57 : memref<128x128xf32, #tpu.memory_space<vmem>>)
    %dma_wait3A_64 = arith.constant 101 : i32
    %dma_wait3A_65 = arith.constant 128 : i32
    %dma_wait3A_66 = arith.constant 0 : i32
    %dma_wait3A_67 = tpu.memref_slice %arg7[%dma_wait3A_65, %dma_wait3A_66] : memref<512x128xf32, #tpu.memory_space<vmem>> -> memref<128x128xf32, #tpu.memory_space<vmem>>
    %dma_wait3A_68 = arith.constant 0 : i32
    %dma_wait3A_69 = tpu.memref_slice %arg6[%dma_wait3A_64, %dma_wait3A_68] : memref<104x128xi32, #tpu.memory_space<vmem>> -> memref<1x128xi32, #tpu.memory_space<vmem>>
    %dma_wait3A_70 = tpu.memref_squeeze %dma_wait3A_69 : memref<1x128xi32, #tpu.memory_space<vmem>> -> memref<128xi32, #tpu.memory_space<vmem>>
    %dma_wait3A_71 = arith.constant 0 : i32
    %dma_wait3A_72 = arith.constant 0 : i32
    %dma_wait3A_73 = tpu.memref_slice %arg8[%dma_wait3A_71, %dma_wait3A_72] : memref<208x128xf32, #tpu.memory_space<vmem_shared>> -> memref<208x128xf32, #tpu.memory_space<vmem_shared>>
    tpu.wait_indirect_dma semaphore(%arg10 : memref<!tpu.dma_semaphore, #tpu.memory_space<semaphore_mem>>) src(%dma_wait3A_73 : memref<208x128xf32, #tpu.memory_space<vmem_shared>>) dst(%dma_wait3A_67 : memref<128x128xf32, #tpu.memory_space<vmem>>)
    %add3A_74 = arith.constant 12800 : i32
    %add3A_75 = arith.addi %mul3A_9, %add3A_74 : i32
    %dma_start3A_76 = arith.constant 0 : i32
    %dma_start3A_77 = arith.constant 0 : i32
    %dma_start3A_78 = tpu.memref_slice %arg7[%dma_start3A_76, %dma_start3A_77] : memref<512x128xf32, #tpu.memory_space<vmem>> -> memref<256x128xf32, #tpu.memory_space<vmem>>
    %dma_start3A_79 = tpu.memref_reshape %arg4 : memref<2048x26x8x128xf32, #tpu.memory_space<hbm>> -> memref<425984x128xf32, #tpu.memory_space<hbm>>
    %dma_start3A_80 = arith.constant 0 : i32
    %dma_start3A_81 = tpu.memref_slice %dma_start3A_79[%add3A_75, %dma_start3A_80] : memref<425984x128xf32, #tpu.memory_space<hbm>> -> memref<256x128xf32, #tpu.memory_space<hbm>>
    %dma_start3A_82 = tpu.memref_reshape %arg4 : memref<2048x26x8x128xf32, #tpu.memory_space<hbm>> -> memref<425984x128xf32, #tpu.memory_space<hbm>>
    %dma_start3A_83 = arith.constant 0 : i32
    %dma_start3A_84 = tpu.memref_slice %dma_start3A_82[%add3A_75, %dma_start3A_83] : memref<425984x128xf32, #tpu.memory_space<hbm>> -> memref<256x128xf32, #tpu.memory_space<hbm>>
    %dma_start3A_85 = arith.constant 0 : i32
    %dma_start3A_86 = arith.constant 0 : i32
    %dma_start3A_87 = tpu.memref_slice %arg7[%dma_start3A_85, %dma_start3A_86] : memref<512x128xf32, #tpu.memory_space<vmem>> -> memref<256x128xf32, #tpu.memory_space<vmem>>
    tpu.enqueue_dma source(%dma_start3A_87 : memref<256x128xf32, #tpu.memory_space<vmem>>) target(%dma_start3A_84 : memref<256x128xf32, #tpu.memory_space<hbm>>) target_semaphore(%arg13 : memref<!tpu.dma_semaphore, #tpu.memory_space<semaphore_mem>>)
    %dma_wait3A_88 = arith.constant 102 : i32
    %dma_wait3A_89 = arith.constant 256 : i32
    %dma_wait3A_90 = arith.constant 0 : i32
    %dma_wait3A_91 = tpu.memref_slice %arg7[%dma_wait3A_89, %dma_wait3A_90] : memref<512x128xf32, #tpu.memory_space<vmem>> -> memref<128x128xf32, #tpu.memory_space<vmem>>
    %dma_wait3A_92 = arith.constant 0 : i32
    %dma_wait3A_93 = tpu.memref_slice %arg6[%dma_wait3A_88, %dma_wait3A_92] : memref<104x128xi32, #tpu.memory_space<vmem>> -> memref<1x128xi32, #tpu.memory_space<vmem>>
    %dma_wait3A_94 = tpu.memref_squeeze %dma_wait3A_93 : memref<1x128xi32, #tpu.memory_space<vmem>> -> memref<128xi32, #tpu.memory_space<vmem>>
    %dma_wait3A_95 = arith.constant 0 : i32
    %dma_wait3A_96 = arith.constant 0 : i32
    %dma_wait3A_97 = tpu.memref_slice %arg8[%dma_wait3A_95, %dma_wait3A_96] : memref<208x128xf32, #tpu.memory_space<vmem_shared>> -> memref<208x128xf32, #tpu.memory_space<vmem_shared>>
    tpu.wait_indirect_dma semaphore(%arg11 : memref<!tpu.dma_semaphore, #tpu.memory_space<semaphore_mem>>) src(%dma_wait3A_97 : memref<208x128xf32, #tpu.memory_space<vmem_shared>>) dst(%dma_wait3A_91 : memref<128x128xf32, #tpu.memory_space<vmem>>)
    %dma_wait3A_98 = arith.constant 103 : i32
    %dma_wait3A_99 = arith.constant 384 : i32
    %dma_wait3A_100 = arith.constant 0 : i32
    %dma_wait3A_101 = tpu.memref_slice %arg7[%dma_wait3A_99, %dma_wait3A_100] : memref<512x128xf32, #tpu.memory_space<vmem>> -> memref<128x128xf32, #tpu.memory_space<vmem>>
    %dma_wait3A_102 = arith.constant 0 : i32
    %dma_wait3A_103 = tpu.memref_slice %arg6[%dma_wait3A_98, %dma_wait3A_102] : memref<104x128xi32, #tpu.memory_space<vmem>> -> memref<1x128xi32, #tpu.memory_space<vmem>>
    %dma_wait3A_104 = tpu.memref_squeeze %dma_wait3A_103 : memref<1x128xi32, #tpu.memory_space<vmem>> -> memref<128xi32, #tpu.memory_space<vmem>>
    %dma_wait3A_105 = arith.constant 0 : i32
    %dma_wait3A_106 = arith.constant 0 : i32
    %dma_wait3A_107 = tpu.memref_slice %arg8[%dma_wait3A_105, %dma_wait3A_106] : memref<208x128xf32, #tpu.memory_space<vmem_shared>> -> memref<208x128xf32, #tpu.memory_space<vmem_shared>>
    tpu.wait_indirect_dma semaphore(%arg12 : memref<!tpu.dma_semaphore, #tpu.memory_space<semaphore_mem>>) src(%dma_wait3A_107 : memref<208x128xf32, #tpu.memory_space<vmem_shared>>) dst(%dma_wait3A_101 : memref<128x128xf32, #tpu.memory_space<vmem>>)
    %add3A_108 = arith.constant 13056 : i32
    %add3A_109 = arith.addi %mul3A_9, %add3A_108 : i32
    %dma_start3A_110 = arith.constant 256 : i32
    %dma_start3A_111 = arith.constant 0 : i32
    %dma_start3A_112 = tpu.memref_slice %arg7[%dma_start3A_110, %dma_start3A_111] : memref<512x128xf32, #tpu.memory_space<vmem>> -> memref<256x128xf32, #tpu.memory_space<vmem>>
    %dma_start3A_113 = tpu.memref_reshape %arg4 : memref<2048x26x8x128xf32, #tpu.memory_space<hbm>> -> memref<425984x128xf32, #tpu.memory_space<hbm>>
    %dma_start3A_114 = arith.constant 0 : i32
    %dma_start3A_115 = tpu.memref_slice %dma_start3A_113[%add3A_109, %dma_start3A_114] : memref<425984x128xf32, #tpu.memory_space<hbm>> -> memref<256x128xf32, #tpu.memory_space<hbm>>
    %dma_start3A_116 = tpu.memref_reshape %arg4 : memref<2048x26x8x128xf32, #tpu.memory_space<hbm>> -> memref<425984x128xf32, #tpu.memory_space<hbm>>
    %dma_start3A_117 = arith.constant 0 : i32
    %dma_start3A_118 = tpu.memref_slice %dma_start3A_116[%add3A_109, %dma_start3A_117] : memref<425984x128xf32, #tpu.memory_space<hbm>> -> memref<256x128xf32, #tpu.memory_space<hbm>>
    %dma_start3A_119 = arith.constant 256 : i32
    %dma_start3A_120 = arith.constant 0 : i32
    %dma_start3A_121 = tpu.memref_slice %arg7[%dma_start3A_119, %dma_start3A_120] : memref<512x128xf32, #tpu.memory_space<vmem>> -> memref<256x128xf32, #tpu.memory_space<vmem>>
    tpu.enqueue_dma source(%dma_start3A_121 : memref<256x128xf32, #tpu.memory_space<vmem>>) target(%dma_start3A_118 : memref<256x128xf32, #tpu.memory_space<hbm>>) target_semaphore(%arg14 : memref<!tpu.dma_semaphore, #tpu.memory_space<semaphore_mem>>)
    %add3A_122 = arith.constant 12800 : i32
    %add3A_123 = arith.addi %mul3A_9, %add3A_122 : i32
    %dma_wait3A_124 = arith.constant 0 : i32
    %dma_wait3A_125 = arith.constant 0 : i32
    %dma_wait3A_126 = tpu.memref_slice %arg7[%dma_wait3A_124, %dma_wait3A_125] : memref<512x128xf32, #tpu.memory_space<vmem>> -> memref<256x128xf32, #tpu.memory_space<vmem>>
    %dma_wait3A_127 = tpu.memref_reshape %arg4 : memref<2048x26x8x128xf32, #tpu.memory_space<hbm>> -> memref<425984x128xf32, #tpu.memory_space<hbm>>
    %dma_wait3A_128 = arith.constant 0 : i32
    %dma_wait3A_129 = tpu.memref_slice %dma_wait3A_127[%add3A_123, %dma_wait3A_128] : memref<425984x128xf32, #tpu.memory_space<hbm>> -> memref<256x128xf32, #tpu.memory_space<hbm>>
    %dma_wait3A_130 = tpu.memref_reshape %arg4 : memref<2048x26x8x128xf32, #tpu.memory_space<hbm>> -> memref<425984x128xf32, #tpu.memory_space<hbm>>
    %dma_wait3A_131 = arith.constant 0 : i32
    %dma_wait3A_132 = tpu.memref_slice %dma_wait3A_130[%add3A_123, %dma_wait3A_131] : memref<425984x128xf32, #tpu.memory_space<hbm>> -> memref<256x128xf32, #tpu.memory_space<hbm>>
    %dma_wait3A_133 = arith.constant 0 : i32
    %dma_wait3A_134 = arith.constant 0 : i32
    %dma_wait3A_135 = tpu.memref_slice %arg7[%dma_wait3A_133, %dma_wait3A_134] : memref<512x128xf32, #tpu.memory_space<vmem>> -> memref<256x128xf32, #tpu.memory_space<vmem>>
    tpu.wait_dma2 semaphore(%arg13 : memref<!tpu.dma_semaphore, #tpu.memory_space<semaphore_mem>>) src(%dma_wait3A_135 : memref<256x128xf32, #tpu.memory_space<vmem>>) dst(%dma_wait3A_132 : memref<256x128xf32, #tpu.memory_space<hbm>>)
    %add3A_136 = arith.constant 13056 : i32
    %add3A_137 = arith.addi %mul3A_9, %add3A_136 : i32
    %dma_wait3A_138 = arith.constant 256 : i32
    %dma_wait3A_139 = arith.constant 0 : i32
    %dma_wait3A_140 = tpu.memref_slice %arg7[%dma_wait3A_138, %dma_wait3A_139] : memref<512x128xf32, #tpu.memory_space<vmem>> -> memref<256x128xf32, #tpu.memory_space<vmem>>
    %dma_wait3A_141 = tpu.memref_reshape %arg4 : memref<2048x26x8x128xf32, #tpu.memory_space<hbm>> -> memref<425984x128xf32, #tpu.memory_space<hbm>>
    %dma_wait3A_142 = arith.constant 0 : i32
    %dma_wait3A_143 = tpu.memref_slice %dma_wait3A_141[%add3A_137, %dma_wait3A_142] : memref<425984x128xf32, #tpu.memory_space<hbm>> -> memref<256x128xf32, #tpu.memory_space<hbm>>
    %dma_wait3A_144 = tpu.memref_reshape %arg4 : memref<2048x26x8x128xf32, #tpu.memory_space<hbm>> -> memref<425984x128xf32, #tpu.memory_space<hbm>>
    %dma_wait3A_145 = arith.constant 0 : i32
    %dma_wait3A_146 = tpu.memref_slice %dma_wait3A_144[%add3A_137, %dma_wait3A_145] : memref<425984x128xf32, #tpu.memory_space<hbm>> -> memref<256x128xf32, #tpu.memory_space<hbm>>
    %dma_wait3A_147 = arith.constant 256 : i32
    %dma_wait3A_148 = arith.constant 0 : i32
    %dma_wait3A_149 = tpu.memref_slice %arg7[%dma_wait3A_147, %dma_wait3A_148] : memref<512x128xf32, #tpu.memory_space<vmem>> -> memref<256x128xf32, #tpu.memory_space<vmem>>
    tpu.wait_dma2 semaphore(%arg14 : memref<!tpu.dma_semaphore, #tpu.memory_space<semaphore_mem>>) src(%dma_wait3A_149 : memref<256x128xf32, #tpu.memory_space<vmem>>) dst(%dma_wait3A_146 : memref<256x128xf32, #tpu.memory_space<hbm>>)
    return
  }
}

</mosaic_0001>

<sc_bundles>
// kernel: kernel.3.cloned.1.call-start
scs
__scs_entry_jumppad:
0x0: {  	(pc) =	sbr.rel $0x88, $3  }
0x1: {  	(tag) =	ssettag $0x0;
	lr =	simm.s32 $0x1  }
0x2: {  	[smem:$0x3F9F] =	sst lr;
	_ =	strace $0xD0000000  }
0x3: {  	_ = 	snop  }
0x4: {  	_ = 	snop  }
0x5: {  	_ = 	snop  }
0x6: {  	_ = 	snop  }
0x7: {  	_ = 	snop  }
__scs_overlays_trampoline_lowered:
0x8: {  	[smem:$0x3FAE] =	sst s0  }
0x9: {  	[smem:$0x3FAF] =	sst s1  }
0xa: {  	[smem:$0x3FB0] =	sst s2  }
0xb: {  	[smem:$0x3FB1] =	sst s3  }
0xc: {  	[smem:$0x3FB2] =	sst s4  }
0xd: {  	[smem:$0x3FB3] =	sst s5  }
0xe: {  	[smem:$0x3FB4] =	sst s6  }
0xf: {  	[smem:$0x3FB5] =	sst s7  }
0x10: {  	[smem:$0x3FB6] =	sst s8  }
0x11: {  	[smem:$0x3FB7] =	sst s9;
	s0 =	simm.s32 @!p0 $0x0  }
0x12: {  	s1 =	sld [smem:$0x3F9D];
	s0 =	simm.s32 @p0 $0x1  }
0x13: {  	[smem:$0x3FB8] =	sst s0;
	s0 =	simm.s32 @!p1 $0x0  }
0x14: {  	s2 =	sld [smem:$0x3F9C];
	s0 =	simm.s32 @p1 $0x1  }
0x15: {  	[smem:$0x3FB9] =	sst s0;
	s0 =	simm.s32 @!p2 $0x0  }
0x16: {  	s3 =	sld [smem:$0x3FDB];
	s0 =	simm.s32 @p2 $0x1  }
0x17: {  	s4 =	simm.s32 $0x1BF5;
	[smem:$0x3FBB] =	sst s0  }
0x18: {  	s0 =	sld [smem:$0x3F9E];
	_ =	swait.ge [sflag:s4], $0x0  }
0x19: {  	s7 =	sld [smem:$0x3F9F]  }
0x1a: {  	s8 =	sadd.s32 $0xFFFFE003, lr  }
0x1b: {  	s9 =	sadd.s32 $0xFFFFFEF7, lr;
	s5 =	simm.s32 $0xFFFFFFFF;
	p2 =	slt.u32 s8, $0xFFFFF086  }
0x1c: {  	p1 =	slt.u32 s9, $0xF7A;
	s5 =	simm.s32 @!p2 $0x0  }
0x1d: {  	s5 =	simm.s32 @p1 $0x1;
	p0 =	seq.s32 s7, s2  }
0x1e: {  	s7 =	smul.u32 @!p0 $0xF7A, s2;
	p2 =	seq.s32 @!p0 s5, $0x0  }
0x1f: {  	s9 =	smul.u32 $0xF7A, s1;
	s8 =	simm.s32 @!p0 $0x1BF5;
	p2 =	por !p2, p0  }
0x20: {  	[sflag:s8] =	ssyncset.s32 @!p0 $0xFFFFF086;
	s6 =	sadd.s32 @!p0 s3, s7;
	s7 =	simm.s32 @!p0 $0x108  }
0x21: {  	s3 =	sadd.s32 s3, s9;
	s6 =	sadd.s32 @!p0 $0x88, s6;
	s7 =	simm.s32 @p2 $0x1082  }
0x22: {  	[simem:s7], [sflag:s8] =	dma.local @!p0 [hbm:s6], $0xF7A  }
0x23: {  	s9 =	sor.u32 $0xD0000000, s2;
	s6 =	simm.s32 $0x108;
	_ =	swait.ge @!p0 [sflag:s8], $0x0  }
0x24: {  	s3 =	sadd.s32 $0x88, s3;
	s6 =	simm.s32 @!p1 $0x1082;
	[sflag:s4] =	ssyncset.s32 $0xFFFFF086  }
0x25: {  	[simem:s6], [sflag:s4] =	dma.local [hbm:s3], $0xF7A  }
0x26: {  	[smem:$0x3F9F] =	sst s1;
	(tag) =	ssettag s2;
	_ =	strace s9  }
0x27: {  	s1 =	sld [smem:$0x3FAF]  }
0x28: {  	s2 =	sld [smem:$0x3FB0]  }
0x29: {  	s4 =	sld [smem:$0x3FB2]  }
0x2a: {  	p0 =	seq.s32 s5, $0x0;
	s5 =	sld [smem:$0x3FB3]  }
0x2b: {  	s6 =	sld [smem:$0x3FB4]  }
0x2c: {  	s7 =	sld [smem:$0x3FB5]  }
0x2d: {  	s3 =	simm.s32 $0x108;
	s8 =	sld [smem:$0x3FB6]  }
0x2e: {  	s3 =	simm.s32 @!p0 $0x1082;
	s9 =	sld [smem:$0x3FB7]  }
0x2f: {  	lr =	sadd.s32 s0, s3;
	s0 =	sld [smem:$0x3FAE]  }
0x30: {  	s3 =	sld [smem:$0x3FB1]  }
0x31: {  	[smem:$0x3FBA] =	sst s10  }
0x32: {  	s10 =	sld [smem:$0x3FB8];
	_ =	sdelay $0x3  }
0x33: {  	p0 =	seq.s32 s10, $0x1;
	s10 =	sld [smem:$0x3FBA];
	_ =	sdelay $0x3  }
0x34: {  	[smem:$0x3FBA] =	sst s10  }
0x35: {  	s10 =	sld [smem:$0x3FB9];
	_ =	sdelay $0x3  }
0x36: {  	p1 =	seq.s32 s10, $0x1;
	s10 =	sld [smem:$0x3FBA];
	_ =	sdelay $0x3  }
0x37: {  	[smem:$0x3FBA] =	sst s10  }
0x38: {  	s10 =	sld [smem:$0x3FBB]  }
0x39: {  	_ = 	snop;
	(pc) =	sbr.ind lr, $3  }
0x3a: {  	_ = 	snop  }
0x3b: {  	_ = 	snop  }
0x3c: {  	p2 =	seq.s32 s10, $0x1;
	s10 =	sld [smem:$0x3FBA]  }
0x3d: {  	_ =	shalt  }
0x3e: {  	_ =	shalt  }
0x3f: {  	_ =	shalt  }
0x40: {  	_ =	shalt  }
0x41: {  	_ =	shalt  }
0x42: {  	_ =	shalt  }
0x43: {  	_ =	shalt  }
0x44: {  	_ =	shalt  }
0x45: {  	_ =	shalt  }
0x46: {  	_ =	shalt  }
0x47: {  	_ =	shalt  }
0x48: {  	_ =	shalt  }
0x49: {  	_ =	shalt  }
0x4a: {  	_ =	shalt  }
0x4b: {  	_ =	shalt  }
0x4c: {  	_ =	shalt  }
0x4d: {  	_ =	shalt  }
0x4e: {  	_ =	shalt  }
0x4f: {  	_ =	shalt  }
0x50: {  	_ =	shalt  }
0x51: {  	_ =	shalt  }
0x52: {  	_ =	shalt  }
0x53: {  	_ =	shalt  }
0x54: {  	_ =	shalt  }
0x55: {  	_ =	shalt  }
0x56: {  	_ =	shalt  }
0x57: {  	_ =	shalt  }
0x58: {  	_ =	shalt  }
0x59: {  	_ =	shalt  }
0x5a: {  	_ =	shalt  }
0x5b: {  	_ =	shalt  }
0x5c: {  	_ =	shalt  }
0x5d: {  	_ =	shalt  }
0x5e: {  	_ =	shalt  }
0x5f: {  	_ =	shalt  }
0x60: {  	_ =	shalt  }
0x61: {  	_ =	shalt  }
0x62: {  	_ =	shalt  }
0x63: {  	_ =	shalt  }
0x64: {  	_ =	shalt  }
0x65: {  	_ =	shalt  }
0x66: {  	_ =	shalt  }
0x67: {  	_ =	shalt  }
0x68: {  	_ =	shalt  }
0x69: {  	_ =	shalt  }
0x6a: {  	_ =	shalt  }
0x6b: {  	_ =	shalt  }
0x6c: {  	_ =	shalt  }
0x6d: {  	_ =	shalt  }
0x6e: {  	_ =	shalt  }
0x6f: {  	_ =	shalt  }
0x70: {  	_ =	shalt  }
0x71: {  	_ =	shalt  }
0x72: {  	_ =	shalt  }
0x73: {  	_ =	shalt  }
0x74: {  	_ =	shalt  }
0x75: {  	_ =	shalt  }
0x76: {  	_ =	shalt  }
0x77: {  	_ =	shalt  }
0x78: {  	_ =	shalt  }
0x79: {  	_ =	shalt  }
0x7a: {  	_ =	shalt  }
0x7b: {  	_ =	shalt  }
0x7c: {  	_ =	shalt  }
0x7d: {  	_ =	shalt  }
0x7e: {  	_ =	shalt  }
0x7f: {  	_ =	shalt  }
0x80: {  	_ =	shalt  }
0x81: {  	_ =	shalt  }
0x82: {  	_ =	shalt  }
0x83: {  	_ =	shalt  }
0x84: {  	_ =	shalt  }
0x85: {  	_ =	shalt  }
0x86: {  	_ =	shalt  }
0x87: {  	_ =	shalt  }
.Lfunc_end0:
.L_simem_size_0:
called_computation_lowered:
.L_overlay_start_0:
0x88: {  	s2 =	sld [smem:$0x3FD9]  }
0x89: {  	s3 =	sld [smem:$0x3FFE];
	_ =	sdelay $0x1  }
0x8a: {  	s1 =	srdreg.scid  }
0x8b: {  	s0 =	sand.u32 $0x1, s1  }
0x8c: {  	s17 =	sshll.u32 s0, $0xA;
	s2 =	sadd.s32 s3, s2  }
0x8d: {  	s2 =	sadd.s32 s2, s17  }
0x8e: {  	[smem:$0x3FC6] =	sst s2  }
0x8f: {  	_ = 	snop  }
0x90: {  	s2 =	sld [smem:$0x3FC8]  }
0x91: {  	s18 =	sld [smem:$0x3FD0];
	(tm) =	ssettm $0x1  }
0x92: {  	s4 =	sld [smem:$0x3FFB];
	_ =	sdelay $0x3  }
0x93: {  	_ =	strace s4  }
0x94: {  	s4 =	sld [smem:$0x3FFC];
	_ =	sdelay $0x3  }
0x95: {  	_ =	strace s4  }
0x96: {  	s4 =	sld [smem:$0x3FFD];
	_ =	sdelay $0x3  }
0x97: {  	_ =	strace s4  }
0x98: {  	_ =	strace $0x8FFFFFFF  }
0x99: {  	s19 =	sld [smem:$0x3FDB];
	_ =	sdelay $0x1  }
0x9a: {  	s5 =	simm.s32 $_scs_section_size  }
0x9b: {  	s6 =	simm.s32 $_size__tile_overlayer_lowered;
	s7 =	simm.s32 $_tile_overlayer_lowered  }
0x9c: {  	s22 =	simm.s32 $0x1BFF;
	s21 =	sshll.u32 s7, $0x1;
	s4 =	sadd.s32 s5, s19  }
0x9d: {  	s8 =	simm.s32 $0x0;
	s20 =	sshll.u32 s6, $0x1;
	s6 =	sadd.s32 s21, s4  }
0x9e: {  	[timem:s8], [sflag:s22] =	dma.local [hbm:s6], s20  }
0x9f: {  	_ =	swait.ge [sflag:s22], s20  }
0xa0: {  	s5 =	ssub.s32 $0x0, s20;
	[sflag:s22] =	ssyncset.done $0x0  }
0xa1: {  	[sflag:s22] =	ssyncadd.s32 s5;
	_ =	sdelay $0x1  }
0xa2: {  	s23 =	simm.s32 $0x1B8B  }
0xa3: {  	_ =	swait.ge [sflag:s23], $0x1  }
0xa4: {  	[sflag:s23] =	ssyncset.done $0x0  }
0xa5: {  	s25 =	simm.s32 $0x1B8E;
	s24 =	sld [smem:$0x3FFE];
	[sflag:s23] =	ssyncadd.s32 $0xFFFFFFFF  }
0xa6: {  	s26 =	simm.s32 $execute0_lowered;
	[smem:$0x3FD2] =	sst s25  }
0xa7: {  	s6 =	sshll.u32 s26, $0x1;
	_ =	strace $0x80000046;
	[dreg:$0x1] =	wrdreg $0xFFFFFFFF  }
0xa8: {  	s28 =	simm.s32 $_size_execute0_lowered;
	s4 =	sadd.s32 s4, s6;
	[dreg:$0x0] =	wrdreg $0x0  }
0xa9: {  	s6 =	sshll.u32 s28, $0x1;
	[dreg:$0x2] =	wrdreg s4  }
0xaa: {  	[dreg:$0x3] =	wrdreg s6  }
0xab: {  	[dreg:$0x4] =	wrdreg $0xC0  }
0xac: {  	_ =	task [dreg:s8], $0x5FFFF  }
0xad: {  	[dreg:$0x1] =	wrdreg $0xFFFFFFFF  }
0xae: {  	[dreg:$0x0] =	wrdreg $0x60  }
0xaf: {  	[dreg:$0x2] =	wrdreg s2  }
0xb0: {  	[dreg:$0x3] =	wrdreg s24  }
0xb1: {  	[dreg:$0x4] =	wrdreg s18  }
0xb2: {  	[dreg:$0x5] =	wrdreg $0x168000  }
0xb3: {  	[dreg:$0x6] =	wrdreg $0x9  }
0xb4: {  	_ =	task.clear_ibuf [dreg:s8], $0x7FFFF;
	_ =	strace $0x90000046  }
0xb5: {  	s29 =	simm.s32 $0x9;
	_ =	strace $0x80000048  }
0xb6: {  	_ =	swait.ge [sflag:s29], $0x1  }
0xb7: {  	[sflag:s29] =	ssyncadd.s32 $0xFFFFFFFF  }
0xb8: {  	_ =	strace $0x90000048  }
0xb9: {  	_ =	sfence  }
0xba: {  	s30 =	sld [smem:$0x0];
	_ =	sdelay $0x2  }
0xbb: {  	s31 =	sshll.u32 s1, $0xD;
	s1 =	sshrl.u32 s1, $0x2  }
0xbc: {  	s3 =	sand.u32 $0x4000, s31;
	s1 =	sadd.s32 s1, s30  }
0xbd: {  	s0 =	sor.u32 s3, s0;
	s1 =	sshll.u32 s1, $0x11  }
0xbe: {  	s0 =	sor.u32 s1, s0  }
0xbf: {  	s0 =	sadd.s32 $0x8F2B, s0  }
0xc0: {  	[sflag:s0] =	ssyncadd.remote.s32 $0x1  }
0xc1: {  	_ =	sfence.sel $0xFFFF  }
0xc2: {  	[dreg:$0x0] =	wrdreg $0xFFFFFFFF;
	(pc) =	sbr.abs _section_cstart, $3  }
0xc3: {  	[dreg:$0x1] =	wrdreg $0xFFFFFFFF  }
0xc4: {  	_ =	task.clear_ibuf [dreg:s8], $0x2FFFF;
	_ =	strace $0x9FFFFFFF  }
0xc5: {  	(tm) =	ssettm $0x7FFFFFFF  }
tec
execute0_lowered:
.L_overlay_start_1:
0x0: {  	(tag) =	ssettag $0x1  }
0x1: {  	s0 =	srdreg.scid;
	s6 =	rddreg [dreg:$0x1]  }
0x2: {  	s2 =	stileid.u32;
	s1 =	rddreg [dreg:$0x2];
	s12 =	simm.s32 $0x80  }
0x3: {  	s16 =	simm.s32 $0x6800;
	s18 =	simm.s32 $0xA800;
	s20 =	simm.s32 $0xE800  }
0x4: {  	s22 =	simm.s32 $0x12800;
	s23 =	simm.s32 $0x1;
	s28 =	simm.s32 $0x5  }
0x5: {  	s29 =	simm.s32 $0x6;
	s30 =	simm.s32 $0x0;
	s0 =	sand.u32 $0x1, s0  }
0x6: {  	s3 =	sshll.u32 s2, $0x1;
	s4 =	sshrl.u32 s2, $0x2;
	p0 =	sne.s32 s2, $0x0  }
0x7: {  	s7 =	sor.u32 s0, s3;
	s3 =	rddreg [dreg:$0x3];
	s5 =	smul.u32 $0x1A000, s4  }
0x8: {  	s4 =	simm.s32 $0x0;
	s0 =	ssub.s32 $0x2, s0;
	s8 =	sshll.u32 s7, $0x7  }
0x9: {  	[smem:$0x7FF] =	sst s4;
	s9 =	sshrl.u32 s0, $0x1;
	s8 =	sand.u32 $0x380, s8  }
0xa: {  	s0 =	ssub.s32 s0, s9;
	s8 =	sor.u32 s5, s8;
	s5 =	smul.u32 $0x1A0000, s7  }
0xb: {  	_ =	strace $0x80000047;
	s7 =	smul.u32 $0x34000, s7;
	s0 =	smax.u32 s0, $0x1  }
0xc: {  	s8 =	sshrl.u32 s8, $0x3;
	[dreg:$0x8] =	wrdreg s0;
	s0 =	sshrl.u32 @!p0 s3, $0x3  }
0xd: {  	s6 =	sadd.s32 s8, s6;
	s24 =	sshrl.u32 s5, $0x3;
	s31 =	sadd.s32 s7, s1  }
0xe: {  	v0 =	vlaneseq.u32;
	[dreg:$0x9] =	wrdreg s0;
	s8 =	sadd.s32 s1, s24;
	s6 =	sadd.s32 $0x400, s6  }
0xf: {  	v1 =	vand.u32 $0x7, v0;
	s10 =	sadd.s32 $0x1000, s31;
	[dreg:$0x5] =	wrdreg s6;
	s25 =	sadd.s32 $0x32000, s8  }
0x10: {  	v1 =	vmul.u32 $0x1A, v1;
	s24 =	simm.s32 $0x2;
	s26 =	sadd.s32 $0x33000, s8;
	[dreg:$0x6] =	wrdreg s25  }
0x11: {  	[dreg:$0x7] =	wrdreg s26;
	s25 =	simm.s32 $0x3;
	s26 =	simm.s32 $0x4  }
.LBB2_1:
0x12: {  	s0 =	smul.u32 $0x4F, s4;
	_ =	sdelay $0x1  }
0x13: {  	s7 =	rddreg [dreg:$0x0];
	s0 =	sshrl.u32 s0, $0xA  }
0x14: {  	s2 =	simm.s32 @!p0 $0x1C07;
	s8 =	rddreg [dreg:$0x9];
	s6 =	smul.u32 $0xD, s0  }
0x15: {  	[spmem:s8], [sflag:s2] =	dma.local @!p0 [hbm:s7], $0xD00  }
0x16: {  	s31 =	simm.s32 $0x1;
	s21 =	ssub.s32 $0x0, s6  }
0x17: {  	s7 =	smul.u32 $0x4F, s31;
	s2 =	sshll.u32 s21, $0x4  }
0x18: {  	s0 =	sand.u32 $0x3F, s0;
	s6 =	simm.s32 @!p0 $0x7;
	s2 =	sand.u32 $0xF0, s2  }
0x19: {  	s0 =	smul.u32 $0xD0, s0;
	_ =	swait.ge @!p0 [sflag:s6], $0xD00;
	v3 =	vor.u32 s2, v0  }
0x1a: {  	s13 =	simm.s32 $0x400;
	s8 =	sshrl.u32 s7, $0xA;
	[sflag:s6] =	ssyncset.done @!p0 $0x0;
	v2 =	vshrl.u32 v3, $0x3  }
0x1b: {  	s9 =	smul.u32 $0xD, s8;
	s11 =	rddreg [dreg:$0x5];
	[sflag:s6] =	ssyncadd.s32 @!p0 $0xFFFFF300;
	v2 =	vadd.s32 s0, v2  }
0x1c: {  	[tilespmem:s4], [sflag:$0x7] =	stream.strided.gather [hbm4b:s11+s12], $0x3400, s13, s12, $0x38;
	v4 =	vadd.s32 v1, v2;
	[tilespmem:$0x16E80] =	vst v63  }
0x1d: {  	s14 =	simm.s32 $0x7;
	s15 =	simm.s32 $0x2;
	s0 =	ssub.s32 $0x1, s9  }
0x1e: {  	s6 =	smul.u32 $0x4F, s15;
	_ =	swait.ge [sflag:s14], $0x3400;
	s0 =	sshll.u32 s0, $0x4  }
0x1f: {  	s2 =	sand.u32 $0x3F, s8;
	[sflag:s14] =	ssyncset.done $0x0;
	s0 =	sand.u32 $0xF0, s0  }
0x20: {  	s17 =	smul.u32 $0xD0, s2;
	[sflag:s14] =	ssyncadd.s32 $0xFFFFCC00;
	v2 =	vor.u32 s0, v0  }
0x21: {  	v5 =	vshrl.u32 v2, $0x3;
	v4 =	vld.idx.msk [tilespmem:v4+s4+$0x0], $0xffff  }
0x22: {  	s19 =	sshrl.u32 s6, $0xA;
	v5 =	vadd.s32 s17, v5  }
0x23: {  	s6 =	smul.u32 $0xD, s19;
	v5 =	vadd.s32 v1, v5  }
0x24: {  	s31 =	sand.u32 $0x70, s4;
	s21 =	sand.u32 $0x600, s4  }
0x25: {  	s7 =	sshrl.u32 s21, $0x2;
	v3 =	vand.u32 $0xF8, v3;
	s2 =	sand.u32 $0x3F, s19;
	s6 =	ssub.s32 $0x2, s6  }
0x26: {  	s7 =	sor.u32 s31, s7;
	s9 =	smul.u32 $0xD0, s2;
	s6 =	sshll.u32 s6, $0x4;
	v3 =	vadd.s32 v3, v4  }
0x27: {  	s2 =	simm.s32 $0x0;
	s0 =	simm.s32 $0x3;
	s6 =	sand.u32 $0xF0, s6;
	[tilespmem:s7+$0x3400] =	vst v3  }
0x28: {  	s8 =	smul.u32 $0x4F, s0;
	s7 =	simm.s32 $0x4;
	v3 =	vor.u32 s6, v0;
	s6 =	simm.s32 $0x0;
	v4 =	vld.idx.msk [tilespmem:v5+s4+$0x0], $0xffff  }
.LBB2_2:
0x29: {  	p1 =	sne.s32 s7, $0x1F;
	v5 =	vshrl.u32 v3, $0x3  }
0x2a: {  	s11 =	sshrl.u32 s8, $0xA;
	v5 =	vadd.s32 s9, v5  }
0x2b: {  	s6 =	sadd.s32 $0x40, s6;
	s8 =	smul.u32 $0xD, s11;
	v5 =	vadd.s32 v1, v5  }
.Ltmp0:
0x2c: {  	s2 =	sadd.s32 $0x10, s2;
	s9 =	sand.u32 $0x600, s6;
	(pc) =	sbr.rel @p1 .LBB2_2-.Ltmp0, $4  }
0x2d: {  	v6 =	vand.u32 $0xF8, v2;
	v2 =	vmov v3;
	s9 =	sshrl.u32 s9, $0x2;
	s0 =	ssub.s32 s0, s8;
	s8 =	sand.u32 $0x70, s2  }
0x2e: {  	s13 =	sshll.u32 s0, $0x4;
	v3 =	vadd.s32 v6, v4;
	s9 =	sor.u32 s8, s9;
	s0 =	smov.u32 s7  }
0x2f: {  	s11 =	sand.u32 $0x3F, s11;
	s8 =	smul.u32 $0x4F, s7;
	s13 =	sand.u32 $0xF0, s13;
	[tilespmem:s9+$0x3400] =	vst v3  }
0x30: {  	s7 =	sadd.s32 $0x1, s7;
	v3 =	vor.u32 s13, v0;
	s9 =	smul.u32 $0xD0, s11;
	v4 =	vld.idx.msk [tilespmem:v5+s4+$0x0], $0xffff  }
0x31: {  	v5 =	vshrl.u32 v3, $0x3;
	s7 =	sshrl.u32 s8, $0xA  }
0x32: {  	v5 =	vadd.s32 s9, v5;
	s8 =	smul.u32 $0xD, s7  }
0x33: {  	s6 =	sadd.s32 $0x40, s6;
	v5 =	vadd.s32 v1, v5  }
0x34: {  	s2 =	sadd.s32 $0x10, s2;
	s19 =	sand.u32 $0x600, s6;
	s0 =	ssub.s32 s0, s8  }
0x35: {  	v2 =	vand.u32 $0xF8, v2;
	s21 =	sand.u32 $0x70, s2;
	s9 =	sshrl.u32 s19, $0x2;
	s0 =	sshll.u32 s0, $0x4  }
0x36: {  	s7 =	sand.u32 $0x3F, s7;
	s8 =	sor.u32 s21, s9;
	v2 =	vadd.s32 v2, v4;
	s0 =	sand.u32 $0xF0, s0  }
0x37: {  	s11 =	smul.u32 $0xD0, s7;
	[tilespmem:s8+$0x3400] =	vst v2;
	v2 =	vor.u32 s0, v0  }
0x38: {  	v62 =	vld.idx.msk [tilespmem:v5+s4+$0x0], $0xffff;
	v63 =	vshrl.u32 v2, $0x3  }
0x39: {  	v5 =	vadd.s32 s11, v63  }
0x3a: {  	s13 =	sadd.s32 $0x40, s6;
	v5 =	vadd.s32 v1, v5  }
0x3b: {  	s2 =	sadd.s32 $0x10, s2;
	s6 =	sand.u32 $0x600, s13  }
0x3c: {  	v3 =	vand.u32 $0xF8, v3;
	s14 =	sand.u32 $0x70, s2;
	s6 =	sshrl.u32 s6, $0x2  }
0x3d: {  	s6 =	sor.u32 s14, s6;
	v3 =	vadd.s32 v3, v62  }
0x3e: {  	[tilespmem:s6+$0x3400] =	vst v3  }
0x3f: {  	v3 =	vld.idx.msk [tilespmem:v5+s4+$0x0], $0xffff;
	_ =	sdelay $0x1  }
0x40: {  	s0 =	sadd.s32 $0x40, s13  }
0x41: {  	s2 =	sadd.s32 $0x10, s2;
	s0 =	sand.u32 $0x600, s0  }
0x42: {  	s2 =	sand.u32 $0x70, s2;
	v2 =	vand.u32 $0xF8, v2;
	s0 =	sshrl.u32 s0, $0x2  }
0x43: {  	s0 =	sor.u32 s2, s0;
	v2 =	vadd.s32 v2, v3  }
0x44: {  	[tilespmem:s0+$0x3400] =	vst v2  }
0x45: {  	s15 =	simm.s32 $0x3400;
	[bflag:$0x0] =	sbarrier.arrive $0xFFFF  }
0x46: {  	[tilespmem:s16], [sflag:$0x1] =	stream.indirect.gather [spmem:s3], $0x80, s15, s12, $0xb8;
	[tilespmem:$0x16E80] =	vst v63  }
0x47: {  	s17 =	simm.s32 $0x3480  }
0x48: {  	[tilespmem:s18], [sflag:$0x2] =	stream.indirect.gather [spmem:s3], $0x80, s17, s12, $0xb8;
	[tilespmem:$0x16E80] =	vst v63  }
0x49: {  	s31 =	simm.s32 $0x0;
	s19 =	simm.s32 $0x3500;
	s7 =	simm.s32 $0x800  }
0x4a: {  	[tilespmem:s20], [sflag:$0x3] =	stream.indirect.gather [spmem:s3], $0x80, s19, s12, $0xb8;
	[tilespmem:$0x16E80] =	vst v63  }
0x4b: {  	s21 =	simm.s32 $0x3580;
	s2 =	simm.s32 $0x20;
	s0 =	simm.s32 $0x200  }
0x4c: {  	[tilespmem:s22], [sflag:$0x4] =	stream.indirect.gather [spmem:s3], $0x80, s21, s12, $0xb8;
	[tilespmem:$0x16E80] =	vst v63  }
.LBB2_4:
0x4d: {  	s6 =	sshll.u32 s31, $0x2  }
0x4e: {  	s15 =	sadd.s32 $0x4, s6  }
0x4f: {  	s6 =	sshll.u32 s15, $0x3  }
0x50: {  	s8 =	smulhi.u32 $0x4EC4EC4F, s6  }
0x51: {  	s9 =	sadd.s32 $0x0, s2  }
0x52: {  	s9 =	smulhi.u32 $0x4EC4EC4F, s9;
	s8 =	sshrl.u32 s8, $0x2  }
0x53: {  	s8 =	smul.u32 $0xD0, s8;
	_ =	sdelay $0x1  }
0x54: {  	s9 =	sshrl.u32 s9, $0x2;
	s8 =	ssub.s32 s0, s8  }
0x55: {  	s6 =	sadd.s32 $0x1, s6;
	s9 =	smul.u32 $0xD0, s9;
	v3 =	vor.u32 s8, v0  }
0x56: {  	s11 =	smulhi.u32 $0x4EC4EC4F, s6;
	v2 =	vshrl.u32 v3, $0x3  }
0x57: {  	s13 =	sadd.s32 $0x1, s2;
	v2 =	vadd.s32 s9, v2  }
0x58: {  	s8 =	smulhi.u32 $0x4EC4EC4F, s13;
	s9 =	sshrl.u32 s11, $0x2;
	v4 =	vadd.s32 v1, v2  }
0x59: {  	s9 =	smul.u32 $0xD0, s9  }
0x5a: {  	s17 =	sadd.s32 $0x10, s0  }
0x5b: {  	s8 =	sshrl.u32 s8, $0x2;
	s9 =	ssub.s32 s17, s9  }
0x5c: {  	s6 =	sadd.s32 $0x1, s6;
	s8 =	smul.u32 $0xD0, s8;
	v2 =	vor.u32 s9, v0  }
0x5d: {  	s14 =	smulhi.u32 $0x4EC4EC4F, s6;
	v5 =	vshrl.u32 v2, $0x3;
	v4 =	vld.idx.msk [tilespmem:v4+s4+$0x0], $0xffff  }
0x5e: {  	s11 =	sadd.s32 $0x2, s2;
	v5 =	vadd.s32 s8, v5  }
0x5f: {  	s19 =	sshrl.u32 s14, $0x2;
	s21 =	smulhi.u32 $0x4EC4EC4F, s11;
	v5 =	vadd.s32 v1, v5  }
0x60: {  	s14 =	sand.u32 $0xFFFFFE00, s7;
	s8 =	smul.u32 $0xD0, s19  }
0x61: {  	s13 =	sand.u32 $0x70, s0;
	v3 =	vand.u32 $0xF8, v3;
	s11 =	sshra.s32 s14, $0x2;
	s19 =	sadd.s32 $0x10, s17  }
0x62: {  	s11 =	sor.u32 s13, s11;
	s9 =	sshrl.u32 s21, $0x2;
	s8 =	ssub.s32 s19, s8;
	v4 =	vadd.s32 v3, v4  }
0x63: {  	s21 =	smul.u32 $0xD0, s9;
	v3 =	vor.u32 s8, v0;
	[tilespmem:s11+$0x3400] =	vst v4  }
0x64: {  	s6 =	sadd.s32 $0x1, s6;
	s13 =	smov.u32 s7;
	s9 =	simm.s32 $0x3;
	v6 =	vshrl.u32 v3, $0x3;
	v4 =	vld.idx.msk [tilespmem:v5+s4+$0x0], $0xffff  }
0x65: {  	s8 =	simm.s32 $0x4;
	s11 =	smulhi.u32 $0x4EC4EC4F, s6;
	v5 =	vadd.s32 s21, v6;
	s21 =	smov.u32 s19  }
.LBB2_5:
0x66: {  	p1 =	sne.s32 s8, $0x1F;
	s9 =	sadd.s32 s9, s2;
	v5 =	vadd.s32 v1, v5;
	s13 =	sadd.s32 $0x40, s13  }
0x67: {  	s11 =	sshrl.u32 s11, $0x2;
	s9 =	smulhi.u32 $0x4EC4EC4F, s9;
	s14 =	sand.u32 $0xFFFFFE00, s13  }
0x68: {  	v6 =	vand.u32 $0xF8, v2;
	s17 =	sand.u32 $0x70, s17;
	v2 =	vmov v3;
	s11 =	smul.u32 $0xD0, s11;
	s14 =	sshra.s32 s14, $0x2  }
.Ltmp1:
0x69: {  	s19 =	sadd.s32 $0x10, s19;
	v3 =	vadd.s32 v6, v4;
	s14 =	sor.u32 s17, s14;
	(pc) =	sbr.rel @p1 .LBB2_5-.Ltmp1, $4  }
0x6a: {  	s9 =	sshrl.u32 s9, $0x2;
	s17 =	smov.u32 s21;
	s11 =	ssub.s32 s19, s11;
	[tilespmem:s14+$0x3400] =	vst v3  }
0x6b: {  	s21 =	smov.u32 s19;
	s14 =	smul.u32 $0xD0, s9;
	s9 =	smov.u32 s8;
	v3 =	vor.u32 s11, v0;
	v4 =	vld.idx.msk [tilespmem:v5+s4+$0x0], $0xffff  }
0x6c: {  	s6 =	sadd.s32 $0x1, s6;
	v5 =	vshrl.u32 v3, $0x3  }
0x6d: {  	s8 =	sadd.s32 $0x1, s8;
	s11 =	smulhi.u32 $0x4EC4EC4F, s6;
	v5 =	vadd.s32 s14, v5  }
0x6e: {  	s6 =	sadd.s32 s9, s2  }
0x6f: {  	v5 =	vadd.s32 v1, v5;
	s8 =	sadd.s32 $0x40, s13;
	s13 =	sshrl.u32 s11, $0x2;
	s6 =	smulhi.u32 $0x4EC4EC4F, s6  }
0x70: {  	s14 =	sand.u32 $0xFFFFFE00, s8;
	s9 =	smul.u32 $0xD0, s13  }
0x71: {  	v2 =	vand.u32 $0xF8, v2;
	s17 =	sand.u32 $0x70, s17;
	s11 =	sshra.s32 s14, $0x2;
	s14 =	sadd.s32 $0x10, s19  }
0x72: {  	v2 =	vadd.s32 v2, v4;
	s11 =	sor.u32 s17, s11;
	s6 =	sshrl.u32 s6, $0x2;
	s9 =	ssub.s32 s14, s9  }
0x73: {  	[tilespmem:s11+$0x3400] =	vst v2;
	s6 =	smul.u32 $0xD0, s6;
	v2 =	vor.u32 s9, v0  }
0x74: {  	v62 =	vld.idx.msk [tilespmem:v5+s4+$0x0], $0xffff;
	v63 =	vshrl.u32 v2, $0x3  }
0x75: {  	v5 =	vadd.s32 s6, v63  }
0x76: {  	s19 =	sadd.s32 $0x40, s8;
	v5 =	vadd.s32 v1, v5  }
0x77: {  	s8 =	sand.u32 $0xFFFFFE00, s19  }
0x78: {  	v3 =	vand.u32 $0xF8, v3;
	s21 =	sand.u32 $0x70, s21;
	s8 =	sshra.s32 s8, $0x2  }
0x79: {  	s8 =	sor.u32 s21, s8;
	v3 =	vadd.s32 v3, v62  }
0x7a: {  	[tilespmem:s8+$0x3400] =	vst v3  }
0x7b: {  	v3 =	vld.idx.msk [tilespmem:v5+s4+$0x0], $0xffff;
	_ =	sdelay $0x1  }
0x7c: {  	s6 =	sadd.s32 $0x40, s19  }
0x7d: {  	s6 =	sand.u32 $0xFFFFFE00, s6  }
0x7e: {  	s11 =	sand.u32 $0x70, s14;
	v2 =	vand.u32 $0xF8, v2;
	s6 =	sshra.s32 s6, $0x2  }
0x7f: {  	s6 =	sor.u32 s11, s6;
	v2 =	vadd.s32 v2, v3  }
0x80: {  	[tilespmem:s6+$0x3400] =	vst v2  }
0x81: {  	_ =	swait.ge [sflag:s23], $0x4000  }
0x82: {  	[sflag:s23] =	ssyncset.done $0x0  }
0x83: {  	s13 =	sshll.u32 s31, $0x10;
	[sflag:s23] =	ssyncadd.s32 $0xFFFFC000  }
0x84: {  	s6 =	sadd.s32 s5, s13;
	_ =	swait.ge [sflag:s24], $0x4000  }
0x85: {  	s6 =	sshrl.u32 s6, $0x3;
	[sflag:s24] =	ssyncset.done $0x0  }
0x86: {  	s6 =	sadd.s32 s1, s6;
	[sflag:s24] =	ssyncadd.s32 $0xFFFFC000  }
0x87: {  	[hbm4b:s6+s4] =	stream.linear.scatter [tilespmem:s16], [sflag:$0x5], $0x8000, $0x38;
	[tilespmem:$0x16E80] =	vst v63  }
0x88: {  	_ =	swait.ge [sflag:s25], $0x4000  }
0x89: {  	[sflag:s25] =	ssyncset.done $0x0  }
0x8a: {  	[sflag:s25] =	ssyncadd.s32 $0xFFFFC000  }
0x8b: {  	_ =	swait.ge [sflag:s26], $0x4000  }
0x8c: {  	s14 =	sshll.u32 s31, $0xD;
	[sflag:s26] =	ssyncset.done $0x0  }
0x8d: {  	s6 =	sadd.s32 s10, s14;
	[sflag:s26] =	ssyncadd.s32 $0xFFFFC000  }
0x8e: {  	[hbm4b:s6+s4] =	stream.linear.scatter [tilespmem:s20], [sflag:$0x6], $0x8000, $0x38;
	[tilespmem:$0x16E80] =	vst v63  }
0x8f: {  	s15 =	sshll.u32 s15, $0x7;
	_ =	swait.ge [sflag:s28], $0x8000  }
0x90: {  	s6 =	sand.u32 $0x3FFFFF80, s15;
	[sflag:s28] =	ssyncset.done $0x0  }
0x91: {  	s17 =	sshll.u32 s31, $0x9;
	s6 =	sadd.s32 $0x3400, s6;
	[sflag:s28] =	ssyncadd.s32 $0xFFFF8000  }
0x92: {  	[tilespmem:s16], [sflag:$0x1] =	stream.indirect.gather [spmem:s3], $0x80, s6, s12, $0xb8;
	[tilespmem:$0x16E80] =	vst v63  }
0x93: {  	s6 =	sand.u32 $0x3FFFFE00, s17  }
0x94: {  	s31 =	sadd.s32 $0x1, s31;
	s19 =	sadd.s32 $0x3680, s6  }
0x95: {  	[tilespmem:s18], [sflag:$0x2] =	stream.indirect.gather [spmem:s3], $0x80, s19, s12, $0xb8;
	[tilespmem:$0x16E80] =	vst v63  }
0x96: {  	p1 =	sne.s32 s31, $0x19;
	_ =	swait.ge [sflag:s29], $0x8000  }
.Ltmp2:
0x97: {  	[sflag:s29] =	ssyncset.done $0x0;
	(pc) =	sbr.rel @p1 .LBB2_4-.Ltmp2, $4  }
0x98: {  	s2 =	sadd.s32 $0x20, s2;
	s21 =	sadd.s32 $0x3700, s6;
	[sflag:s29] =	ssyncadd.s32 $0xFFFF8000  }
0x99: {  	[tilespmem:s20], [sflag:$0x3] =	stream.indirect.gather [spmem:s3], $0x80, s21, s12, $0xb8;
	[tilespmem:$0x16E80] =	vst v63  }
0x9a: {  	s0 =	sadd.s32 $0x200, s0;
	s7 =	sadd.s32 $0x800, s7;
	s6 =	sadd.s32 $0x3780, s6  }
0x9b: {  	[tilespmem:s22], [sflag:$0x4] =	stream.indirect.gather [spmem:s3], $0x80, s6, s12, $0xb8;
	[tilespmem:$0x16E80] =	vst v63  }
0x9c: {  	_ =	swait.ge [sflag:s23], $0x4000  }
0x9d: {  	[sflag:s23] =	ssyncset.done $0x0  }
0x9e: {  	[sflag:s23] =	ssyncadd.s32 $0xFFFFC000  }
0x9f: {  	_ =	swait.ge [sflag:s24], $0x4000  }
0xa0: {  	[sflag:s24] =	ssyncset.done $0x0  }
0xa1: {  	s0 =	rddreg [dreg:$0x6];
	[sflag:s24] =	ssyncadd.s32 $0xFFFFC000  }
0xa2: {  	[hbm4b:s0+s4] =	stream.linear.scatter [tilespmem:s16], [sflag:$0x5], $0x8000, $0x38;
	[tilespmem:$0x16E80] =	vst v63  }
0xa3: {  	_ =	swait.ge [sflag:s25], $0x4000  }
0xa4: {  	[sflag:s25] =	ssyncset.done $0x0  }
0xa5: {  	[sflag:s25] =	ssyncadd.s32 $0xFFFFC000  }
0xa6: {  	_ =	swait.ge [sflag:s26], $0x4000  }
0xa7: {  	[sflag:s26] =	ssyncset.done $0x0  }
0xa8: {  	s21 =	rddreg [dreg:$0x7];
	[sflag:s26] =	ssyncadd.s32 $0xFFFFC000  }
0xa9: {  	[hbm4b:s21+s4] =	stream.linear.scatter [tilespmem:s20], [sflag:$0x6], $0x8000, $0x38;
	[tilespmem:$0x16E80] =	vst v63  }
0xaa: {  	_ =	swait.ge [sflag:s28], $0x8000  }
0xab: {  	[sflag:s28] =	ssyncset.done $0x0  }
0xac: {  	[sflag:s28] =	ssyncadd.s32 $0xFFFF8000  }
0xad: {  	_ =	swait.ge [sflag:s29], $0x8000  }
0xae: {  	s30 =	sadd.s32 $0x1, s30;
	s31 =	rddreg [dreg:$0x8]  }
0xaf: {  	p1 =	sne.s32 s30, s31  }
.Ltmp3:
0xb0: {  	_ = 	snop;
	(pc) =	sbr.rel @p1 .LBB2_1-.Ltmp3, $3  }
0xb1: {  	_ =	sdelay $0x1  }
0xb2: {  	[sflag:s29] =	ssyncset.done $0x0  }
0xb3: {  	[sflag:s29] =	ssyncadd.s32 $0xFFFF8000  }
0xb4: {  	_ =	sfence.sel $0x180000  }
0xb5: {  	[bflag:$0x0] =	sbarrier.arrive $0xFFFF  }
0xb6: {  	_ =	strace $0x90000047  }
0xb7: {  	[bflag:$0x2] =	sbarrier.arrive $0xFFFF  }
0xb8: {  	s0 =	rddreg [dreg:$0x4]  }
0xb9: {  	s0 =	sadd.s32 @!p0 $0x100000, s0  }
0xba: {  	[sflag:s0] =	ssyncadd.tile.s32 @!p0 $0x1;
	_ =	shalt  }
.Lfunc_end2:
_tile_overlayer_lowered:
.L_overlay_start_2:
0xbb: {  	(tag) =	ssettag $0x2  }
0xbc: {  	s0 =	rddreg [dreg:$0x0];
	s2 =	stileid.u32  }
0xbd: {  	s1 =	rddreg [dreg:$0x1];
	p0 =	sne.s32 s2, $0x0  }
0xbe: {  	s3 =	rddreg [dreg:$0x2];
	[bflag:$0x3] =	sbarrier.arrive $0xFFFF;
	s2 =	simm.s32 @!p0 $0x1C07  }
0xbf: {  	[timem:s3], [sflag:s2] =	dma.local @!p0 [hbm:s0], s1  }
0xc0: {  	s0 =	simm.s32 @!p0 $0x7  }
0xc1: {  	_ =	swait.ge @!p0 [sflag:s0], s1  }
0xc2: {  	s1 =	ssub.s32 @!p0 $0x0, s1;
	[sflag:s0] =	ssyncset.done @!p0 $0x0  }
0xc3: {  	[sflag:s0] =	ssyncadd.s32 @!p0 s1  }
0xc4: {  	[bflag:$0x3] =	sbarrier.arrive $0xFFFF  }
0xc5: {  	_ =	shalt  }

</sc_bundles>
